<compile_context>
chip_gen: v7x
topology: tpu7x:2x2x1
jax: 0.10.2.dev20260603
libtpu: 0.0.44.dev20260713+nightly
codegen_flags: <defaults>
</compile_context>

<pallas_src>
import functools

import jax
import jax.numpy as jnp
from jax import lax
from jax.experimental import pallas as pl
from jax.experimental.pallas import tpu as pltpu
from jax.experimental.pallas import tpu_sc as plsc

N_MESH = 10000
N_GRID = 50000
E = 160000
D = 256
H = 256
EO = 256

_EPS = 1e-5


def _ln_rows(h, g, b):
    mu = jnp.mean(h, axis=-1, keepdims=True)
    var = jnp.mean((h - mu) * (h - mu), axis=-1, keepdims=True)
    return (h - mu) * lax.rsqrt(var + _EPS) * g + b



def _matmul_body(x_ref, w_ref, o_ref):
    o_ref[...] = jnp.dot(x_ref[...], w_ref[...],
                         preferred_element_type=jnp.float32)


def _matmul(x, w, block):
    m, k = x.shape
    _, n = w.shape
    return pl.pallas_call(
        _matmul_body,
        grid=(m // block,),
        in_specs=[
            pl.BlockSpec((block, k), lambda i: (i, 0)),
            pl.BlockSpec((k, n), lambda i: (0, 0)),
        ],
        out_specs=pl.BlockSpec((block, n), lambda i: (i, 0)),
        out_shape=jax.ShapeDtypeStruct((m, n), jnp.float32),
    )(x, w)



_NC = 2
_NS = 16
_NW = _NC * _NS
_EPW = E // _NW
_BR = 128
_NFB = _EPW // _BR
_REM = _EPW - _NFB * _BR


def _sc_gather_body(src_hbm, dst_hbm, hsrc_hbm, hdst_hbm, gs_hbm, gd_hbm,
                    src_v, dst_v, rows_s, rows_d, sem_s, sem_d):
    wid = lax.axis_index("s") * _NC + lax.axis_index("c")
    base = pl.multiple_of(wid * _EPW, 8)
    pltpu.sync_copy(src_hbm.at[pl.ds(base, _EPW)], src_v)
    pltpu.sync_copy(dst_hbm.at[pl.ds(base, _EPW)], dst_v)

    def body(j, carry):
        off = pl.multiple_of(j * _BR, 8)
        cs = pltpu.async_copy(hsrc_hbm.at[src_v.at[pl.ds(off, _BR)]],
                              rows_s, sem_s)
        cd = pltpu.async_copy(hdst_hbm.at[dst_v.at[pl.ds(off, _BR)]],
                              rows_d, sem_d)
        cs.wait()
        pltpu.sync_copy(rows_s, gs_hbm.at[pl.ds(base + off, _BR)])
        cd.wait()
        pltpu.sync_copy(rows_d, gd_hbm.at[pl.ds(base + off, _BR)])
        return carry

    lax.fori_loop(0, _NFB, body, 0)
    off = _NFB * _BR
    cs = pltpu.async_copy(hsrc_hbm.at[src_v.at[pl.ds(off, _REM)]],
                          rows_s.at[pl.ds(0, _REM)], sem_s)
    cd = pltpu.async_copy(hdst_hbm.at[dst_v.at[pl.ds(off, _REM)]],
                          rows_d.at[pl.ds(0, _REM)], sem_d)
    cs.wait()
    pltpu.sync_copy(rows_s.at[pl.ds(0, _REM)], gs_hbm.at[pl.ds(base + off, _REM)])
    cd.wait()
    pltpu.sync_copy(rows_d.at[pl.ds(0, _REM)], gd_hbm.at[pl.ds(base + off, _REM)])


def _sc_gather(src, dst, h_src, h_dst):
    mesh = plsc.VectorSubcoreMesh(core_axis_name="c", subcore_axis_name="s")
    f = pl.kernel(
        _sc_gather_body,
        out_type=(jax.ShapeDtypeStruct((E, H), jnp.float32),
                  jax.ShapeDtypeStruct((E, H), jnp.float32)),
        mesh=mesh,
        scratch_types=[
            pltpu.VMEM((_EPW,), jnp.int32),
            pltpu.VMEM((_EPW,), jnp.int32),
            pltpu.VMEM((_BR, H), jnp.float32),
            pltpu.VMEM((_BR, H), jnp.float32),
            pltpu.SemaphoreType.DMA,
            pltpu.SemaphoreType.DMA,
        ],
    )
    return f(src, dst, h_src, h_dst)



def _edge_mlp_body(em_ref, gs_ref, gd_ref, we_ref, be_ref, weo_ref, beo_ref,
                   ge_ref, ble_ref, o_ref):
    h = jnp.dot(em_ref[...], we_ref[...], preferred_element_type=jnp.float32)
    h = h + gs_ref[...] + gd_ref[...] + be_ref[...]
    h = h * jax.nn.sigmoid(h)
    h = jnp.dot(h, weo_ref[...], preferred_element_type=jnp.float32)
    h = h + beo_ref[...]
    o_ref[...] = _ln_rows(h, ge_ref[...], ble_ref[...]).T


def _edge_mlp(em, gsrc, gdst, we, be, weo, beo, ge, ble, block=640):
    e = em.shape[0]
    row = pl.BlockSpec((block, D), lambda i: (i, 0))
    mat = pl.BlockSpec((D, H), lambda i: (0, 0))
    vec = pl.BlockSpec((1, H), lambda i: (0, 0))
    return pl.pallas_call(
        _edge_mlp_body,
        grid=(e // block,),
        in_specs=[row, row, row, mat, vec, mat, vec, vec, vec],
        out_specs=pl.BlockSpec((EO, block), lambda i: (0, i)),
        out_shape=jax.ShapeDtypeStruct((EO, e), jnp.float32),
    )(em, gsrc, gdst, we, be.reshape(1, H), weo, beo.reshape(1, EO),
      ge.reshape(1, EO), ble.reshape(1, EO))



_GENS = 4
_CPT = 2
_EB2 = 3200
_NB2 = E // _EB2
_VPB = _EB2 // 16
_UNR = 5


def _sc_segsum_body(dst_hbm, efT_hbm, aggT_hbm,
                    dstb, efb0, efb1, acc0, acc1, sems):
    wid = lax.axis_index("s") * _NC + lax.axis_index("c")

    def gen(g, cg):
        col = g * (_NW * _CPT) + wid * _CPT
        cbase0 = pl.multiple_of(col * E, 8)
        cbase1 = pl.multiple_of((col + 1) * E, 8)

        def z(i, c):
            for k in range(_UNR):
                off = pl.multiple_of(i * 16 * _UNR + k * 16, 8)
                acc0[pl.ds(off, 16)] = jnp.zeros((16,), jnp.float32)
                acc1[pl.ds(off, 16)] = jnp.zeros((16,), jnp.float32)
            return c
        lax.fori_loop(0, N_GRID // (16 * _UNR), z, 0)

        def copies(b, s):
            e0 = pl.multiple_of(b * _EB2, 8)
            return (
                pltpu.make_async_copy(dst_hbm.at[pl.ds(e0, _EB2)], dstb.at[s],
                                      sems.at[s]),
                pltpu.make_async_copy(efT_hbm.at[pl.ds(cbase0 + e0, _EB2)],
                                      efb0.at[s], sems.at[s]),
                pltpu.make_async_copy(efT_hbm.at[pl.ds(cbase1 + e0, _EB2)],
                                      efb1.at[s], sems.at[s]),
            )

        def issue(b, s):
            for c in copies(b, s):
                c.start()

        def wait(b, s):
            for c in copies(b, s):
                c.wait()

        def process(s):
            def vec(v, cc):
                for k in range(_UNR):
                    off = pl.multiple_of(v * 16 * _UNR + k * 16, 8)
                    dv = dstb[s, pl.ds(off, 16)]
                    plsc.addupdate_scatter(acc0, [dv],
                                           efb0[s, pl.ds(off, 16)])
                    plsc.addupdate_scatter(acc1, [dv],
                                           efb1[s, pl.ds(off, 16)])
                return cc
            lax.fori_loop(0, _VPB // _UNR, vec, 0)

        issue(0, 0)

        def pair(p, c):
            ba = 2 * p
            issue(ba + 1, 1)
            wait(ba, 0)
            process(0)

            @pl.when(ba + 2 < _NB2)
            def _():
                issue(ba + 2, 0)

            wait(ba + 1, 1)
            process(1)
            return c
        lax.fori_loop(0, _NB2 // 2, pair, 0)

        base = pl.multiple_of(col * N_GRID, 8)
        pltpu.sync_copy(acc0, aggT_hbm.at[pl.ds(base, N_GRID)])
        pltpu.sync_copy(acc1, aggT_hbm.at[pl.ds(base + N_GRID, N_GRID)])
        return cg

    lax.fori_loop(0, _GENS, gen, 0)


def _sc_segsum(dst, efT_flat):
    mesh = plsc.VectorSubcoreMesh(core_axis_name="c", subcore_axis_name="s")
    f = pl.kernel(
        _sc_segsum_body,
        out_type=jax.ShapeDtypeStruct((EO * N_GRID,), jnp.float32),
        mesh=mesh,
        scratch_types=[
            pltpu.VMEM((2, _EB2), jnp.int32),
            pltpu.VMEM((2, _EB2), jnp.float32),
            pltpu.VMEM((2, _EB2), jnp.float32),
            pltpu.VMEM((N_GRID,), jnp.float32),
            pltpu.VMEM((N_GRID,), jnp.float32),
            pltpu.SemaphoreType.DMA((2,)),
        ],
        compiler_params=pltpu.CompilerParams(needs_layout_passes=False),
    )
    return f(dst, efT_flat)



def _node_mlp_body(aggT_ref, grid_ref, w0a_ref, w0b_ref, b0_ref, w1_ref,
                   b1_ref, gn_ref, bln_ref, o_ref):
    n = jax.lax.dot_general(aggT_ref[...], w0a_ref[...],
                            (((0,), (0,)), ((), ())),
                            preferred_element_type=jnp.float32)
    n = n + jnp.dot(grid_ref[...], w0b_ref[...],
                    preferred_element_type=jnp.float32)
    n = n + b0_ref[...]
    n = n * jax.nn.sigmoid(n)
    n = jnp.dot(n, w1_ref[...], preferred_element_type=jnp.float32)
    n = n + b1_ref[...]
    o_ref[...] = _ln_rows(n, gn_ref[...], bln_ref[...]) + grid_ref[...]


def _node_mlp(aggT, grid, w0a, w0b, b0, w1, b1, gn, bln, block=1024):
    m = grid.shape[0]
    row = pl.BlockSpec((block, D), lambda i: (i, 0))
    mat = pl.BlockSpec((D, H), lambda i: (0, 0))
    vec = pl.BlockSpec((1, H), lambda i: (0, 0))
    return pl.pallas_call(
        _node_mlp_body,
        grid=((m + block - 1) // block,),
        in_specs=[pl.BlockSpec((EO, block), lambda i: (0, i)), row, mat, mat,
                  vec, pl.BlockSpec((H, D), lambda i: (0, 0)), vec, vec, vec],
        out_specs=pl.BlockSpec((block, D), lambda i: (i, 0)),
        out_shape=jax.ShapeDtypeStruct((m, D), jnp.float32),
    )(aggT, grid, w0a, w0b, b0.reshape(1, H), w1, b1.reshape(1, D),
      gn.reshape(1, D), bln.reshape(1, D))



def kernel(edge_index, m2g_edge_embedded, m2m_node_processed,
           grid_input_encoded, We, Wsrc, Wdst, be, Weo, beo, ge, ble,
           Wn0, bn0, Wn1, bn1, gn, bln):
    src = edge_index[0]
    dst = edge_index[1]

    h_src = _matmul(m2m_node_processed, Wsrc, 1000)
    h_dst = _matmul(grid_input_encoded, Wdst, 1000)

    gsrc, gdst = _sc_gather(src, dst, h_src, h_dst)

    efT = _edge_mlp(m2g_edge_embedded, gsrc, gdst, We, be, Weo, beo, ge, ble)

    aggT = _sc_segsum(dst, efT.reshape(-1)).reshape(EO, N_GRID)

    w0a = Wn0[:D]
    w0b = Wn0[D:]
    return _node_mlp(aggT, grid_input_encoded, w0a, w0b, bn0, Wn1, bn1,
                     gn, bln)

# --- scband reference (transcript-rebuilt; emitter-appended) ---
"""Pipeline reference for scband-mesh-graph-decoder-25082609009441 (READ-ONLY COPY).

The authoritative reference and input builder live on the scoring server;
editing this copy changes nothing except your own understanding.
"""

import jax, jax.numpy as jnp
import numpy as np

N_MESH = 10000
N_GRID = 50000
E = 160000
D = 256
H = 256
EO = 256


def _ln(x, g, b, eps=1e-5):
    mu = jnp.mean(x, axis=-1, keepdims=True)
    var = jnp.var(x, axis=-1, keepdims=True)
    return (x - mu) / jnp.sqrt(var + eps) * g + b


def setup_inputs(seed: int = 0) -> dict:
    key = jax.random.key(seed)
    ks = jax.random.split(key, 24)

    def w(k, shape):
        fan_in = shape[0]
        return (jax.random.uniform(k, shape, jnp.float32, -1.0, 1.0) / np.sqrt(fan_in)).astype(jnp.float32)

    inp = {}
    inp["edge_index"] = jnp.stack([
        jax.random.randint(ks[0], (E,), 0, N_MESH, dtype=jnp.int32),
        jax.random.randint(ks[1], (E,), 0, N_GRID, dtype=jnp.int32),
    ], axis=0)
    inp["m2g_edge_embedded"] = jax.random.normal(ks[2], (E, D), jnp.float32)
    inp["m2m_node_processed"] = jax.random.normal(ks[3], (N_MESH, D), jnp.float32)
    inp["grid_input_encoded"] = jax.random.normal(ks[4], (N_GRID, D), jnp.float32)
    # edge MLP (sum-of-linears first layer, Modulus MeshGraphEdgeMLPSum)
    inp["We"] = w(ks[5], (D, H))
    inp["Wsrc"] = w(ks[6], (D, H))
    inp["Wdst"] = w(ks[7], (D, H))
    inp["be"] = jnp.zeros((H,), jnp.float32)
    inp["Weo"] = w(ks[8], (H, EO))
    inp["beo"] = jnp.zeros((EO,), jnp.float32)
    inp["ge"] = jnp.ones((EO,), jnp.float32)
    inp["ble"] = jnp.zeros((EO,), jnp.float32)
    # node MLP: input = dst_dim + edges_output_dim = 512
    inp["Wn0"] = w(ks[9], (D + EO, H))
    inp["bn0"] = jnp.zeros((H,), jnp.float32)
    inp["Wn1"] = w(ks[10], (H, D))
    inp["bn1"] = jnp.zeros((D,), jnp.float32)
    inp["gn"] = jnp.ones((D,), jnp.float32)
    inp["bln"] = jnp.zeros((D,), jnp.float32)
    return inp


def reference(edge_index, m2g_edge_embedded, m2m_node_processed, grid_input_encoded,
              We, Wsrc, Wdst, be, Weo, beo, ge, ble,
              Wn0, bn0, Wn1, bn1, gn, bln):
    src = edge_index[0]
    dst = edge_index[1]
    # edge MLP: sum of per-source linears (computed per-node then gathered)
    h_src = m2m_node_processed @ Wsrc
    h_dst = grid_input_encoded @ Wdst
    h = m2g_edge_embedded @ We + jnp.take(h_src, src, axis=0) + jnp.take(h_dst, dst, axis=0) + be
    h = jax.nn.silu(h)
    h = h @ Weo + beo
    efeat = _ln(h, ge, ble)
    # aggregate (sum over incoming edges per grid/dst node) and concat
    agg = jax.ops.segment_sum(efeat, dst, num_segments=N_GRID)
    cat = jnp.concatenate([agg, grid_input_encoded], axis=-1)
    # node MLP + residual
    n = jax.nn.silu(cat @ Wn0 + bn0)
    n = n @ Wn1 + bn1
    n = _ln(n, gn, bln)
    return n + grid_input_encoded

if __name__ == "__main__":
    import jax
    _d = setup_inputs()
    print(jax.jit(kernel)(*tuple(_d.values())))

</pallas_src>

<mosaic_0001>
#map = affine_map<(d0, d1) -> (0)>
module attributes {stable_mosaic.version = 14 : i64} {
  func.func @_sc_segsum_body(%arg0: i32, %arg1: i32, %arg2: memref<160000xi32, #tpu.memory_space<hbm>>, %arg3: memref<40960000xf32, #tpu.memory_space<hbm>>, %arg4: memref<12800000xf32, #tpu.memory_space<hbm>>, %arg5: memref<2x3200xi32, #tpu.memory_space<vmem>>, %arg6: memref<2x3200xf32, #tpu.memory_space<vmem>>, %arg7: memref<2x3200xf32, #tpu.memory_space<vmem>>, %arg8: memref<50000xf32, #tpu.memory_space<vmem>>, %arg9: memref<50000xf32, #tpu.memory_space<vmem>>, %arg10: memref<2x!tpu.dma_semaphore, #tpu.memory_space<semaphore_mem>>) attributes {dimension_semantics = [#tpu.dimension_semantics<core_parallel>, #tpu.dimension_semantics<subcore_parallel>], iteration_bounds = array<i64: 2, 16>, scalar_prefetch = 0 : i64, scratch_operands = 6 : i64, tpu.core_type = #tpu.core_type<sc_vector_subcore>, window_params = [{transform_indices = #map}, {transform_indices = #map}, {transform_indices = #map}]} {
    %mul3A = arith.constant 2 : i32
    %mul3A_0 = arith.muli %arg1, %mul3A : i32
    %add3A = arith.addi %mul3A_0, %arg0 : i32
    %scan3A = arith.constant 0 : i32
    %scan3A_1 = arith.constant 0 : i32
    %scan3A_2 = arith.constant 4 : i32
    %scan3A_3 = arith.addi %scan3A_1, %scan3A_2 : i32
    %scan3A_4 = arith.constant 1 : i32
    scf.for %scan3A_6 = %scan3A_1 to %scan3A_3 step %scan3A_4  : i32 {
      %mul3A_7 = arith.constant 64 : i32
      %mul3A_8 = arith.muli %scan3A_6, %mul3A_7 : i32
      %mul3A_9 = arith.constant 2 : i32
      %mul3A_10 = arith.muli %add3A, %mul3A_9 : i32
      %add3A_11 = arith.addi %mul3A_8, %mul3A_10 : i32
      %mul3A_12 = arith.constant 160000 : i32
      %mul3A_13 = arith.muli %add3A_11, %mul3A_12 : i32
      %multiple_of3A = tpu.assume_multiple %mul3A_13, 8 : i32
      %add3A_14 = arith.constant 1 : i32
      %add3A_15 = arith.addi %add3A_11, %add3A_14 : i32
      %mul3A_16 = arith.constant 160000 : i32
      %mul3A_17 = arith.muli %add3A_15, %mul3A_16 : i32
      %multiple_of3A_18 = tpu.assume_multiple %mul3A_17, 8 : i32
      %scan3A_19 = arith.constant 0 : i32
      %scan3A_20 = arith.constant 0 : i32
      %scan3A_21 = arith.constant 625 : i32
      %scan3A_22 = arith.addi %scan3A_20, %scan3A_21 : i32
      %scan3A_23 = arith.constant 1 : i32
      scf.for %scan3A_75 = %scan3A_20 to %scan3A_22 step %scan3A_23  : i32 {
        %mul3A_76 = arith.constant 16 : i32
        %mul3A_77 = arith.muli %scan3A_75, %mul3A_76 : i32
        %mul3A_78 = arith.constant 5 : i32
        %mul3A_79 = arith.muli %mul3A_77, %mul3A_78 : i32
        %add3A_80 = arith.constant 0 : i32
        %add3A_81 = arith.addi %mul3A_79, %add3A_80 : i32
        %multiple_of3A_82 = tpu.assume_multiple %add3A_81, 8 : i32
        %broadcast_in_dim3A = arith.constant 0.000000e+00 : f32
        %broadcast_in_dim3A_83 = vector.broadcast %broadcast_in_dim3A : f32 to vector<16xf32>
        %swap3A = arith.index_cast %multiple_of3A_82 : i32 to index
        %swap3A_84 = tpu.vector_load %arg8[%swap3A] {strides = array<i32>} : memref<50000xf32, #tpu.memory_space<vmem>>, vector<16xf32>,
        tpu.vector_store %arg8[%swap3A], %broadcast_in_dim3A_83 {strides = array<i32>} : memref<50000xf32, #tpu.memory_space<vmem>>, vector<16xf32>,
        %broadcast_in_dim3A_85 = arith.constant 0.000000e+00 : f32
        %broadcast_in_dim3A_86 = vector.broadcast %broadcast_in_dim3A_85 : f32 to vector<16xf32>
        %swap3A_87 = arith.index_cast %multiple_of3A_82 : i32 to index
        %swap3A_88 = tpu.vector_load %arg9[%swap3A_87] {strides = array<i32>} : memref<50000xf32, #tpu.memory_space<vmem>>, vector<16xf32>,
        tpu.vector_store %arg9[%swap3A_87], %broadcast_in_dim3A_86 {strides = array<i32>} : memref<50000xf32, #tpu.memory_space<vmem>>, vector<16xf32>,
        %mul3A_89 = arith.constant 16 : i32
        %mul3A_90 = arith.muli %scan3A_75, %mul3A_89 : i32
        %mul3A_91 = arith.constant 5 : i32
        %mul3A_92 = arith.muli %mul3A_90, %mul3A_91 : i32
        %add3A_93 = arith.constant 16 : i32
        %add3A_94 = arith.addi %mul3A_92, %add3A_93 : i32
        %multiple_of3A_95 = tpu.assume_multiple %add3A_94, 8 : i32
        %broadcast_in_dim3A_96 = arith.constant 0.000000e+00 : f32
        %broadcast_in_dim3A_97 = vector.broadcast %broadcast_in_dim3A_96 : f32 to vector<16xf32>
        %swap3A_98 = arith.index_cast %multiple_of3A_95 : i32 to index
        %swap3A_99 = tpu.vector_load %arg8[%swap3A_98] {strides = array<i32>} : memref<50000xf32, #tpu.memory_space<vmem>>, vector<16xf32>,
        tpu.vector_store %arg8[%swap3A_98], %broadcast_in_dim3A_97 {strides = array<i32>} : memref<50000xf32, #tpu.memory_space<vmem>>, vector<16xf32>,
        %broadcast_in_dim3A_100 = arith.constant 0.000000e+00 : f32
        %broadcast_in_dim3A_101 = vector.broadcast %broadcast_in_dim3A_100 : f32 to vector<16xf32>
        %swap3A_102 = arith.index_cast %multiple_of3A_95 : i32 to index
        %swap3A_103 = tpu.vector_load %arg9[%swap3A_102] {strides = array<i32>} : memref<50000xf32, #tpu.memory_space<vmem>>, vector<16xf32>,
        tpu.vector_store %arg9[%swap3A_102], %broadcast_in_dim3A_101 {strides = array<i32>} : memref<50000xf32, #tpu.memory_space<vmem>>, vector<16xf32>,
        %mul3A_104 = arith.constant 16 : i32
        %mul3A_105 = arith.muli %scan3A_75, %mul3A_104 : i32
        %mul3A_106 = arith.constant 5 : i32
        %mul3A_107 = arith.muli %mul3A_105, %mul3A_106 : i32
        %add3A_108 = arith.constant 32 : i32
        %add3A_109 = arith.addi %mul3A_107, %add3A_108 : i32
        %multiple_of3A_110 = tpu.assume_multiple %add3A_109, 8 : i32
        %broadcast_in_dim3A_111 = arith.constant 0.000000e+00 : f32
        %broadcast_in_dim3A_112 = vector.broadcast %broadcast_in_dim3A_111 : f32 to vector<16xf32>
        %swap3A_113 = arith.index_cast %multiple_of3A_110 : i32 to index
        %swap3A_114 = tpu.vector_load %arg8[%swap3A_113] {strides = array<i32>} : memref<50000xf32, #tpu.memory_space<vmem>>, vector<16xf32>,
        tpu.vector_store %arg8[%swap3A_113], %broadcast_in_dim3A_112 {strides = array<i32>} : memref<50000xf32, #tpu.memory_space<vmem>>, vector<16xf32>,
        %broadcast_in_dim3A_115 = arith.constant 0.000000e+00 : f32
        %broadcast_in_dim3A_116 = vector.broadcast %broadcast_in_dim3A_115 : f32 to vector<16xf32>
        %swap3A_117 = arith.index_cast %multiple_of3A_110 : i32 to index
        %swap3A_118 = tpu.vector_load %arg9[%swap3A_117] {strides = array<i32>} : memref<50000xf32, #tpu.memory_space<vmem>>, vector<16xf32>,
        tpu.vector_store %arg9[%swap3A_117], %broadcast_in_dim3A_116 {strides = array<i32>} : memref<50000xf32, #tpu.memory_space<vmem>>, vector<16xf32>,
        %mul3A_119 = arith.constant 16 : i32
        %mul3A_120 = arith.muli %scan3A_75, %mul3A_119 : i32
        %mul3A_121 = arith.constant 5 : i32
        %mul3A_122 = arith.muli %mul3A_120, %mul3A_121 : i32
        %add3A_123 = arith.constant 48 : i32
        %add3A_124 = arith.addi %mul3A_122, %add3A_123 : i32
        %multiple_of3A_125 = tpu.assume_multiple %add3A_124, 8 : i32
        %broadcast_in_dim3A_126 = arith.constant 0.000000e+00 : f32
        %broadcast_in_dim3A_127 = vector.broadcast %broadcast_in_dim3A_126 : f32 to vector<16xf32>
        %swap3A_128 = arith.index_cast %multiple_of3A_125 : i32 to index
        %swap3A_129 = tpu.vector_load %arg8[%swap3A_128] {strides = array<i32>} : memref<50000xf32, #tpu.memory_space<vmem>>, vector<16xf32>,
        tpu.vector_store %arg8[%swap3A_128], %broadcast_in_dim3A_127 {strides = array<i32>} : memref<50000xf32, #tpu.memory_space<vmem>>, vector<16xf32>,
        %broadcast_in_dim3A_130 = arith.constant 0.000000e+00 : f32
        %broadcast_in_dim3A_131 = vector.broadcast %broadcast_in_dim3A_130 : f32 to vector<16xf32>
        %swap3A_132 = arith.index_cast %multiple_of3A_125 : i32 to index
        %swap3A_133 = tpu.vector_load %arg9[%swap3A_132] {strides = array<i32>} : memref<50000xf32, #tpu.memory_space<vmem>>, vector<16xf32>,
        tpu.vector_store %arg9[%swap3A_132], %broadcast_in_dim3A_131 {strides = array<i32>} : memref<50000xf32, #tpu.memory_space<vmem>>, vector<16xf32>,
        %mul3A_134 = arith.constant 16 : i32
        %mul3A_135 = arith.muli %scan3A_75, %mul3A_134 : i32
        %mul3A_136 = arith.constant 5 : i32
        %mul3A_137 = arith.muli %mul3A_135, %mul3A_136 : i32
        %add3A_138 = arith.constant 64 : i32
        %add3A_139 = arith.addi %mul3A_137, %add3A_138 : i32
        %multiple_of3A_140 = tpu.assume_multiple %add3A_139, 8 : i32
        %broadcast_in_dim3A_141 = arith.constant 0.000000e+00 : f32
        %broadcast_in_dim3A_142 = vector.broadcast %broadcast_in_dim3A_141 : f32 to vector<16xf32>
        %swap3A_143 = arith.index_cast %multiple_of3A_140 : i32 to index
        %swap3A_144 = tpu.vector_load %arg8[%swap3A_143] {strides = array<i32>} : memref<50000xf32, #tpu.memory_space<vmem>>, vector<16xf32>,
        tpu.vector_store %arg8[%swap3A_143], %broadcast_in_dim3A_142 {strides = array<i32>} : memref<50000xf32, #tpu.memory_space<vmem>>, vector<16xf32>,
        %broadcast_in_dim3A_145 = arith.constant 0.000000e+00 : f32
        %broadcast_in_dim3A_146 = vector.broadcast %broadcast_in_dim3A_145 : f32 to vector<16xf32>
        %swap3A_147 = arith.index_cast %multiple_of3A_140 : i32 to index
        %swap3A_148 = tpu.vector_load %arg9[%swap3A_147] {strides = array<i32>} : memref<50000xf32, #tpu.memory_space<vmem>>, vector<16xf32>,
        tpu.vector_store %arg9[%swap3A_147], %broadcast_in_dim3A_146 {strides = array<i32>} : memref<50000xf32, #tpu.memory_space<vmem>>, vector<16xf32>,
      }
      %scan3A_24 = arith.constant 625 : i32
      %multiple_of3A_25 = arith.constant 0 : i32
      %multiple_of3A_26 = tpu.assume_multiple %multiple_of3A_25, 8 : i32
      %add3A_27 = arith.addi %multiple_of3A, %multiple_of3A_26 : i32
      %add3A_28 = arith.addi %multiple_of3A_18, %multiple_of3A_26 : i32
      %dma_start3A = arith.constant 0 : i32
      %dma_start3A_29 = arith.constant 0 : i32
      %dma_start3A_30 = arith.constant 0 : i32
      %dma_start3A_31 = tpu.memref_slice %arg5[%dma_start3A, %dma_start3A_30] : memref<2x3200xi32, #tpu.memory_space<vmem>> -> memref<1x3200xi32, #tpu.memory_space<vmem>>
      %dma_start3A_32 = tpu.memref_squeeze %dma_start3A_31 : memref<1x3200xi32, #tpu.memory_space<vmem>> -> memref<3200xi32, #tpu.memory_space<vmem>>
      %dma_start3A_33 = tpu.memref_slice %arg2[%multiple_of3A_26] : memref<160000xi32, #tpu.memory_space<hbm>> -> memref<3200xi32, #tpu.memory_space<hbm>>
      %dma_start3A_34 = tpu.memref_slice %arg10[%dma_start3A_29] : memref<2x!tpu.dma_semaphore, #tpu.memory_space<semaphore_mem>> -> memref<1x!tpu.dma_semaphore, #tpu.memory_space<semaphore_mem>>
      %dma_start3A_35 = tpu.memref_squeeze %dma_start3A_34 : memref<1x!tpu.dma_semaphore, #tpu.memory_space<semaphore_mem>> -> memref<!tpu.dma_semaphore, #tpu.memory_space<semaphore_mem>>
      %dma_start3A_36 = arith.constant 0 : i32
      %dma_start3A_37 = tpu.memref_slice %arg5[%dma_start3A, %dma_start3A_36] : memref<2x3200xi32, #tpu.memory_space<vmem>> -> memref<1x3200xi32, #tpu.memory_space<vmem>>
      %dma_start3A_38 = tpu.memref_squeeze %dma_start3A_37 : memref<1x3200xi32, #tpu.memory_space<vmem>> -> memref<3200xi32, #tpu.memory_space<vmem>>
      %dma_start3A_39 = tpu.memref_slice %arg2[%multiple_of3A_26] : memref<160000xi32, #tpu.memory_space<hbm>> -> memref<3200xi32, #tpu.memory_space<hbm>>
      tpu.enqueue_dma source(%dma_start3A_39 : memref<3200xi32, #tpu.memory_space<hbm>>) target(%dma_start3A_38 : memref<3200xi32, #tpu.memory_space<vmem>>) target_semaphore(%dma_start3A_35 : memref<!tpu.dma_semaphore, #tpu.memory_space<semaphore_mem>>)
      %dma_start3A_40 = arith.constant 0 : i32
      %dma_start3A_41 = arith.constant 0 : i32
      %dma_start3A_42 = arith.constant 0 : i32
      %dma_start3A_43 = tpu.memref_slice %arg6[%dma_start3A_40, %dma_start3A_42] : memref<2x3200xf32, #tpu.memory_space<vmem>> -> memref<1x3200xf32, #tpu.memory_space<vmem>>
      %dma_start3A_44 = tpu.memref_squeeze %dma_start3A_43 : memref<1x3200xf32, #tpu.memory_space<vmem>> -> memref<3200xf32, #tpu.memory_space<vmem>>
      %dma_start3A_45 = tpu.memref_slice %arg3[%add3A_27] : memref<40960000xf32, #tpu.memory_space<hbm>> -> memref<3200xf32, #tpu.memory_space<hbm>>
      %dma_start3A_46 = tpu.memref_slice %arg10[%dma_start3A_41] : memref<2x!tpu.dma_semaphore, #tpu.memory_space<semaphore_mem>> -> memref<1x!tpu.dma_semaphore, #tpu.memory_space<semaphore_mem>>
      %dma_start3A_47 = tpu.memref_squeeze %dma_start3A_46 : memref<1x!tpu.dma_semaphore, #tpu.memory_space<semaphore_mem>> -> memref<!tpu.dma_semaphore, #tpu.memory_space<semaphore_mem>>
      %dma_start3A_48 = arith.constant 0 : i32
      %dma_start3A_49 = tpu.memref_slice %arg6[%dma_start3A_40, %dma_start3A_48] : memref<2x3200xf32, #tpu.memory_space<vmem>> -> memref<1x3200xf32, #tpu.memory_space<vmem>>
      %dma_start3A_50 = tpu.memref_squeeze %dma_start3A_49 : memref<1x3200xf32, #tpu.memory_space<vmem>> -> memref<3200xf32, #tpu.memory_space<vmem>>
      %dma_start3A_51 = tpu.memref_slice %arg3[%add3A_27] : memref<40960000xf32, #tpu.memory_space<hbm>> -> memref<3200xf32, #tpu.memory_space<hbm>>
      tpu.enqueue_dma source(%dma_start3A_51 : memref<3200xf32, #tpu.memory_space<hbm>>) target(%dma_start3A_50 : memref<3200xf32, #tpu.memory_space<vmem>>) target_semaphore(%dma_start3A_47 : memref<!tpu.dma_semaphore, #tpu.memory_space<semaphore_mem>>)
      %dma_start3A_52 = arith.constant 0 : i32
      %dma_start3A_53 = arith.constant 0 : i32
      %dma_start3A_54 = arith.constant 0 : i32
      %dma_start3A_55 = tpu.memref_slice %arg7[%dma_start3A_52, %dma_start3A_54] : memref<2x3200xf32, #tpu.memory_space<vmem>> -> memref<1x3200xf32, #tpu.memory_space<vmem>>
      %dma_start3A_56 = tpu.memref_squeeze %dma_start3A_55 : memref<1x3200xf32, #tpu.memory_space<vmem>> -> memref<3200xf32, #tpu.memory_space<vmem>>
      %dma_start3A_57 = tpu.memref_slice %arg3[%add3A_28] : memref<40960000xf32, #tpu.memory_space<hbm>> -> memref<3200xf32, #tpu.memory_space<hbm>>
      %dma_start3A_58 = tpu.memref_slice %arg10[%dma_start3A_53] : memref<2x!tpu.dma_semaphore, #tpu.memory_space<semaphore_mem>> -> memref<1x!tpu.dma_semaphore, #tpu.memory_space<semaphore_mem>>
      %dma_start3A_59 = tpu.memref_squeeze %dma_start3A_58 : memref<1x!tpu.dma_semaphore, #tpu.memory_space<semaphore_mem>> -> memref<!tpu.dma_semaphore, #tpu.memory_space<semaphore_mem>>
      %dma_start3A_60 = arith.constant 0 : i32
      %dma_start3A_61 = tpu.memref_slice %arg7[%dma_start3A_52, %dma_start3A_60] : memref<2x3200xf32, #tpu.memory_space<vmem>> -> memref<1x3200xf32, #tpu.memory_space<vmem>>
      %dma_start3A_62 = tpu.memref_squeeze %dma_start3A_61 : memref<1x3200xf32, #tpu.memory_space<vmem>> -> memref<3200xf32, #tpu.memory_space<vmem>>
      %dma_start3A_63 = tpu.memref_slice %arg3[%add3A_28] : memref<40960000xf32, #tpu.memory_space<hbm>> -> memref<3200xf32, #tpu.memory_space<hbm>>
      tpu.enqueue_dma source(%dma_start3A_63 : memref<3200xf32, #tpu.memory_space<hbm>>) target(%dma_start3A_62 : memref<3200xf32, #tpu.memory_space<vmem>>) target_semaphore(%dma_start3A_59 : memref<!tpu.dma_semaphore, #tpu.memory_space<semaphore_mem>>)
      %scan3A_64 = arith.constant 0 : i32
      %scan3A_65 = arith.constant 0 : i32
      %scan3A_66 = arith.constant 25 : i32
      %scan3A_67 = arith.addi %scan3A_65, %scan3A_66 : i32
      %scan3A_68 = arith.constant 1 : i32
      scf.for %scan3A_75 = %scan3A_65 to %scan3A_67 step %scan3A_68  : i32 {
        %mul3A_76 = arith.constant 2 : i32
        %mul3A_77 = arith.muli %mul3A_76, %scan3A_75 : i32
        %add3A_78 = arith.constant 1 : i32
        %add3A_79 = arith.addi %mul3A_77, %add3A_78 : i32
        %mul3A_80 = arith.constant 3200 : i32
        %mul3A_81 = arith.muli %add3A_79, %mul3A_80 : i32
        %multiple_of3A_82 = tpu.assume_multiple %mul3A_81, 8 : i32
        %add3A_83 = arith.addi %multiple_of3A, %multiple_of3A_82 : i32
        %add3A_84 = arith.addi %multiple_of3A_18, %multiple_of3A_82 : i32
        %dma_start3A_85 = arith.constant 1 : i32
        %dma_start3A_86 = arith.constant 1 : i32
        %dma_start3A_87 = arith.constant 0 : i32
        %dma_start3A_88 = tpu.memref_slice %arg5[%dma_start3A_85, %dma_start3A_87] : memref<2x3200xi32, #tpu.memory_space<vmem>> -> memref<1x3200xi32, #tpu.memory_space<vmem>>
        %dma_start3A_89 = tpu.memref_squeeze %dma_start3A_88 : memref<1x3200xi32, #tpu.memory_space<vmem>> -> memref<3200xi32, #tpu.memory_space<vmem>>
        %dma_start3A_90 = tpu.memref_slice %arg2[%multiple_of3A_82] : memref<160000xi32, #tpu.memory_space<hbm>> -> memref<3200xi32, #tpu.memory_space<hbm>>
        %dma_start3A_91 = tpu.memref_slice %arg10[%dma_start3A_86] : memref<2x!tpu.dma_semaphore, #tpu.memory_space<semaphore_mem>> -> memref<1x!tpu.dma_semaphore, #tpu.memory_space<semaphore_mem>>
        %dma_start3A_92 = tpu.memref_squeeze %dma_start3A_91 : memref<1x!tpu.dma_semaphore, #tpu.memory_space<semaphore_mem>> -> memref<!tpu.dma_semaphore, #tpu.memory_space<semaphore_mem>>
        %dma_start3A_93 = arith.constant 0 : i32
        %dma_start3A_94 = tpu.memref_slice %arg5[%dma_start3A_85, %dma_start3A_93] : memref<2x3200xi32, #tpu.memory_space<vmem>> -> memref<1x3200xi32, #tpu.memory_space<vmem>>
        %dma_start3A_95 = tpu.memref_squeeze %dma_start3A_94 : memref<1x3200xi32, #tpu.memory_space<vmem>> -> memref<3200xi32, #tpu.memory_space<vmem>>
        %dma_start3A_96 = tpu.memref_slice %arg2[%multiple_of3A_82] : memref<160000xi32, #tpu.memory_space<hbm>> -> memref<3200xi32, #tpu.memory_space<hbm>>
        tpu.enqueue_dma source(%dma_start3A_96 : memref<3200xi32, #tpu.memory_space<hbm>>) target(%dma_start3A_95 : memref<3200xi32, #tpu.memory_space<vmem>>) target_semaphore(%dma_start3A_92 : memref<!tpu.dma_semaphore, #tpu.memory_space<semaphore_mem>>)
        %dma_start3A_97 = arith.constant 1 : i32
        %dma_start3A_98 = arith.constant 1 : i32
        %dma_start3A_99 = arith.constant 0 : i32
        %dma_start3A_100 = tpu.memref_slice %arg6[%dma_start3A_97, %dma_start3A_99] : memref<2x3200xf32, #tpu.memory_space<vmem>> -> memref<1x3200xf32, #tpu.memory_space<vmem>>
        %dma_start3A_101 = tpu.memref_squeeze %dma_start3A_100 : memref<1x3200xf32, #tpu.memory_space<vmem>> -> memref<3200xf32, #tpu.memory_space<vmem>>
        %dma_start3A_102 = tpu.memref_slice %arg3[%add3A_83] : memref<40960000xf32, #tpu.memory_space<hbm>> -> memref<3200xf32, #tpu.memory_space<hbm>>
        %dma_start3A_103 = tpu.memref_slice %arg10[%dma_start3A_98] : memref<2x!tpu.dma_semaphore, #tpu.memory_space<semaphore_mem>> -> memref<1x!tpu.dma_semaphore, #tpu.memory_space<semaphore_mem>>
        %dma_start3A_104 = tpu.memref_squeeze %dma_start3A_103 : memref<1x!tpu.dma_semaphore, #tpu.memory_space<semaphore_mem>> -> memref<!tpu.dma_semaphore, #tpu.memory_space<semaphore_mem>>
        %dma_start3A_105 = arith.constant 0 : i32
        %dma_start3A_106 = tpu.memref_slice %arg6[%dma_start3A_97, %dma_start3A_105] : memref<2x3200xf32, #tpu.memory_space<vmem>> -> memref<1x3200xf32, #tpu.memory_space<vmem>>
        %dma_start3A_107 = tpu.memref_squeeze %dma_start3A_106 : memref<1x3200xf32, #tpu.memory_space<vmem>> -> memref<3200xf32, #tpu.memory_space<vmem>>
        %dma_start3A_108 = tpu.memref_slice %arg3[%add3A_83] : memref<40960000xf32, #tpu.memory_space<hbm>> -> memref<3200xf32, #tpu.memory_space<hbm>>
        tpu.enqueue_dma source(%dma_start3A_108 : memref<3200xf32, #tpu.memory_space<hbm>>) target(%dma_start3A_107 : memref<3200xf32, #tpu.memory_space<vmem>>) target_semaphore(%dma_start3A_104 : memref<!tpu.dma_semaphore, #tpu.memory_space<semaphore_mem>>)
        %dma_start3A_109 = arith.constant 1 : i32
        %dma_start3A_110 = arith.constant 1 : i32
        %dma_start3A_111 = arith.constant 0 : i32
        %dma_start3A_112 = tpu.memref_slice %arg7[%dma_start3A_109, %dma_start3A_111] : memref<2x3200xf32, #tpu.memory_space<vmem>> -> memref<1x3200xf32, #tpu.memory_space<vmem>>
        %dma_start3A_113 = tpu.memref_squeeze %dma_start3A_112 : memref<1x3200xf32, #tpu.memory_space<vmem>> -> memref<3200xf32, #tpu.memory_space<vmem>>
        %dma_start3A_114 = tpu.memref_slice %arg3[%add3A_84] : memref<40960000xf32, #tpu.memory_space<hbm>> -> memref<3200xf32, #tpu.memory_space<hbm>>
        %dma_start3A_115 = tpu.memref_slice %arg10[%dma_start3A_110] : memref<2x!tpu.dma_semaphore, #tpu.memory_space<semaphore_mem>> -> memref<1x!tpu.dma_semaphore, #tpu.memory_space<semaphore_mem>>
        %dma_start3A_116 = tpu.memref_squeeze %dma_start3A_115 : memref<1x!tpu.dma_semaphore, #tpu.memory_space<semaphore_mem>> -> memref<!tpu.dma_semaphore, #tpu.memory_space<semaphore_mem>>
        %dma_start3A_117 = arith.constant 0 : i32
        %dma_start3A_118 = tpu.memref_slice %arg7[%dma_start3A_109, %dma_start3A_117] : memref<2x3200xf32, #tpu.memory_space<vmem>> -> memref<1x3200xf32, #tpu.memory_space<vmem>>
        %dma_start3A_119 = tpu.memref_squeeze %dma_start3A_118 : memref<1x3200xf32, #tpu.memory_space<vmem>> -> memref<3200xf32, #tpu.memory_space<vmem>>
        %dma_start3A_120 = tpu.memref_slice %arg3[%add3A_84] : memref<40960000xf32, #tpu.memory_space<hbm>> -> memref<3200xf32, #tpu.memory_space<hbm>>
        tpu.enqueue_dma source(%dma_start3A_120 : memref<3200xf32, #tpu.memory_space<hbm>>) target(%dma_start3A_119 : memref<3200xf32, #tpu.memory_space<vmem>>) target_semaphore(%dma_start3A_116 : memref<!tpu.dma_semaphore, #tpu.memory_space<semaphore_mem>>)
        %mul3A_121 = arith.constant 3200 : i32
        %mul3A_122 = arith.muli %mul3A_77, %mul3A_121 : i32
        %multiple_of3A_123 = tpu.assume_multiple %mul3A_122, 8 : i32
        %add3A_124 = arith.addi %multiple_of3A, %multiple_of3A_123 : i32
        %add3A_125 = arith.addi %multiple_of3A_18, %multiple_of3A_123 : i32
        %dma_wait3A = arith.constant 0 : i32
        %dma_wait3A_126 = arith.constant 0 : i32
        %dma_wait3A_127 = arith.constant 0 : i32
        %dma_wait3A_128 = tpu.memref_slice %arg5[%dma_wait3A, %dma_wait3A_127] : memref<2x3200xi32, #tpu.memory_space<vmem>> -> memref<1x3200xi32, #tpu.memory_space<vmem>>
        %dma_wait3A_129 = tpu.memref_squeeze %dma_wait3A_128 : memref<1x3200xi32, #tpu.memory_space<vmem>> -> memref<3200xi32, #tpu.memory_space<vmem>>
        %dma_wait3A_130 = tpu.memref_slice %arg2[%multiple_of3A_123] : memref<160000xi32, #tpu.memory_space<hbm>> -> memref<3200xi32, #tpu.memory_space<hbm>>
        %dma_wait3A_131 = tpu.memref_slice %arg10[%dma_wait3A_126] : memref<2x!tpu.dma_semaphore, #tpu.memory_space<semaphore_mem>> -> memref<1x!tpu.dma_semaphore, #tpu.memory_space<semaphore_mem>>
        %dma_wait3A_132 = tpu.memref_squeeze %dma_wait3A_131 : memref<1x!tpu.dma_semaphore, #tpu.memory_space<semaphore_mem>> -> memref<!tpu.dma_semaphore, #tpu.memory_space<semaphore_mem>>
        %dma_wait3A_133 = arith.constant 0 : i32
        %dma_wait3A_134 = tpu.memref_slice %arg5[%dma_wait3A, %dma_wait3A_133] : memref<2x3200xi32, #tpu.memory_space<vmem>> -> memref<1x3200xi32, #tpu.memory_space<vmem>>
        %dma_wait3A_135 = tpu.memref_squeeze %dma_wait3A_134 : memref<1x3200xi32, #tpu.memory_space<vmem>> -> memref<3200xi32, #tpu.memory_space<vmem>>
        %dma_wait3A_136 = tpu.memref_slice %arg2[%multiple_of3A_123] : memref<160000xi32, #tpu.memory_space<hbm>> -> memref<3200xi32, #tpu.memory_space<hbm>>
        tpu.wait_dma2 semaphore(%dma_wait3A_132 : memref<!tpu.dma_semaphore, #tpu.memory_space<semaphore_mem>>) src(%dma_wait3A_136 : memref<3200xi32, #tpu.memory_space<hbm>>) dst(%dma_wait3A_135 : memref<3200xi32, #tpu.memory_space<vmem>>)
        %dma_wait3A_137 = arith.constant 0 : i32
        %dma_wait3A_138 = arith.constant 0 : i32
        %dma_wait3A_139 = arith.constant 0 : i32
        %dma_wait3A_140 = tpu.memref_slice %arg6[%dma_wait3A_137, %dma_wait3A_139] : memref<2x3200xf32, #tpu.memory_space<vmem>> -> memref<1x3200xf32, #tpu.memory_space<vmem>>
        %dma_wait3A_141 = tpu.memref_squeeze %dma_wait3A_140 : memref<1x3200xf32, #tpu.memory_space<vmem>> -> memref<3200xf32, #tpu.memory_space<vmem>>
        %dma_wait3A_142 = tpu.memref_slice %arg3[%add3A_124] : memref<40960000xf32, #tpu.memory_space<hbm>> -> memref<3200xf32, #tpu.memory_space<hbm>>
        %dma_wait3A_143 = tpu.memref_slice %arg10[%dma_wait3A_138] : memref<2x!tpu.dma_semaphore, #tpu.memory_space<semaphore_mem>> -> memref<1x!tpu.dma_semaphore, #tpu.memory_space<semaphore_mem>>
        %dma_wait3A_144 = tpu.memref_squeeze %dma_wait3A_143 : memref<1x!tpu.dma_semaphore, #tpu.memory_space<semaphore_mem>> -> memref<!tpu.dma_semaphore, #tpu.memory_space<semaphore_mem>>
        %dma_wait3A_145 = arith.constant 0 : i32
        %dma_wait3A_146 = tpu.memref_slice %arg6[%dma_wait3A_137, %dma_wait3A_145] : memref<2x3200xf32, #tpu.memory_space<vmem>> -> memref<1x3200xf32, #tpu.memory_space<vmem>>
        %dma_wait3A_147 = tpu.memref_squeeze %dma_wait3A_146 : memref<1x3200xf32, #tpu.memory_space<vmem>> -> memref<3200xf32, #tpu.memory_space<vmem>>
        %dma_wait3A_148 = tpu.memref_slice %arg3[%add3A_124] : memref<40960000xf32, #tpu.memory_space<hbm>> -> memref<3200xf32, #tpu.memory_space<hbm>>
        tpu.wait_dma2 semaphore(%dma_wait3A_144 : memref<!tpu.dma_semaphore, #tpu.memory_space<semaphore_mem>>) src(%dma_wait3A_148 : memref<3200xf32, #tpu.memory_space<hbm>>) dst(%dma_wait3A_147 : memref<3200xf32, #tpu.memory_space<vmem>>)
        %dma_wait3A_149 = arith.constant 0 : i32
        %dma_wait3A_150 = arith.constant 0 : i32
        %dma_wait3A_151 = arith.constant 0 : i32
        %dma_wait3A_152 = tpu.memref_slice %arg7[%dma_wait3A_149, %dma_wait3A_151] : memref<2x3200xf32, #tpu.memory_space<vmem>> -> memref<1x3200xf32, #tpu.memory_space<vmem>>
        %dma_wait3A_153 = tpu.memref_squeeze %dma_wait3A_152 : memref<1x3200xf32, #tpu.memory_space<vmem>> -> memref<3200xf32, #tpu.memory_space<vmem>>
        %dma_wait3A_154 = tpu.memref_slice %arg3[%add3A_125] : memref<40960000xf32, #tpu.memory_space<hbm>> -> memref<3200xf32, #tpu.memory_space<hbm>>
        %dma_wait3A_155 = tpu.memref_slice %arg10[%dma_wait3A_150] : memref<2x!tpu.dma_semaphore, #tpu.memory_space<semaphore_mem>> -> memref<1x!tpu.dma_semaphore, #tpu.memory_space<semaphore_mem>>
        %dma_wait3A_156 = tpu.memref_squeeze %dma_wait3A_155 : memref<1x!tpu.dma_semaphore, #tpu.memory_space<semaphore_mem>> -> memref<!tpu.dma_semaphore, #tpu.memory_space<semaphore_mem>>
        %dma_wait3A_157 = arith.constant 0 : i32
        %dma_wait3A_158 = tpu.memref_slice %arg7[%dma_wait3A_149, %dma_wait3A_157] : memref<2x3200xf32, #tpu.memory_space<vmem>> -> memref<1x3200xf32, #tpu.memory_space<vmem>>
        %dma_wait3A_159 = tpu.memref_squeeze %dma_wait3A_158 : memref<1x3200xf32, #tpu.memory_space<vmem>> -> memref<3200xf32, #tpu.memory_space<vmem>>
        %dma_wait3A_160 = tpu.memref_slice %arg3[%add3A_125] : memref<40960000xf32, #tpu.memory_space<hbm>> -> memref<3200xf32, #tpu.memory_space<hbm>>
        tpu.wait_dma2 semaphore(%dma_wait3A_156 : memref<!tpu.dma_semaphore, #tpu.memory_space<semaphore_mem>>) src(%dma_wait3A_160 : memref<3200xf32, #tpu.memory_space<hbm>>) dst(%dma_wait3A_159 : memref<3200xf32, #tpu.memory_space<vmem>>)
        %scan3A_161 = arith.constant 0 : i32
        %scan3A_162 = arith.constant 0 : i32
        %scan3A_163 = arith.constant 40 : i32
        %scan3A_164 = arith.addi %scan3A_162, %scan3A_163 : i32
        %scan3A_165 = arith.constant 1 : i32
        scf.for %scan3A_220 = %scan3A_162 to %scan3A_164 step %scan3A_165  : i32 {
          %mul3A_221 = arith.constant 16 : i32
          %mul3A_222 = arith.muli %scan3A_220, %mul3A_221 : i32
          %mul3A_223 = arith.constant 5 : i32
          %mul3A_224 = arith.muli %mul3A_222, %mul3A_223 : i32
          %add3A_225 = arith.constant 0 : i32
          %add3A_226 = arith.addi %mul3A_224, %add3A_225 : i32
          %multiple_of3A_227 = tpu.assume_multiple %add3A_226, 8 : i32
          %get3A = arith.constant 0 : i32
          %get3A_228 = arith.index_cast %get3A : i32 to index
          %get3A_229 = arith.index_cast %multiple_of3A_227 : i32 to index
          %get3A_230 = tpu.vector_load %arg5[%get3A_228, %get3A_229] {strides = array<i32>} : memref<2x3200xi32, #tpu.memory_space<vmem>>, vector<16xi32>,
          %get3A_231 = arith.constant 0 : i32
          %get3A_232 = arith.index_cast %get3A_231 : i32 to index
          %get3A_233 = arith.index_cast %multiple_of3A_227 : i32 to index
          %get3A_234 = tpu.vector_load %arg6[%get3A_232, %get3A_233] {strides = array<i32>} : memref<2x3200xf32, #tpu.memory_space<vmem>>, vector<16xf32>,
          tpu.vector_store_idx %arg8[%get3A_230], %get3A_234 {add = true} : memref<50000xf32, #tpu.memory_space<vmem>>[vector<16xi32>], vector<16xf32>,
          %get3A_235 = arith.constant 0 : i32
          %get3A_236 = arith.index_cast %get3A_235 : i32 to index
          %get3A_237 = arith.index_cast %multiple_of3A_227 : i32 to index
          %get3A_238 = tpu.vector_load %arg7[%get3A_236, %get3A_237] {strides = array<i32>} : memref<2x3200xf32, #tpu.memory_space<vmem>>, vector<16xf32>,
          tpu.vector_store_idx %arg9[%get3A_230], %get3A_238 {add = true} : memref<50000xf32, #tpu.memory_space<vmem>>[vector<16xi32>], vector<16xf32>,
          %mul3A_239 = arith.constant 16 : i32
          %mul3A_240 = arith.muli %scan3A_220, %mul3A_239 : i32
          %mul3A_241 = arith.constant 5 : i32
          %mul3A_242 = arith.muli %mul3A_240, %mul3A_241 : i32
          %add3A_243 = arith.constant 16 : i32
          %add3A_244 = arith.addi %mul3A_242, %add3A_243 : i32
          %multiple_of3A_245 = tpu.assume_multiple %add3A_244, 8 : i32
          %get3A_246 = arith.constant 0 : i32
          %get3A_247 = arith.index_cast %get3A_246 : i32 to index
          %get3A_248 = arith.index_cast %multiple_of3A_245 : i32 to index
          %get3A_249 = tpu.vector_load %arg5[%get3A_247, %get3A_248] {strides = array<i32>} : memref<2x3200xi32, #tpu.memory_space<vmem>>, vector<16xi32>,
          %get3A_250 = arith.constant 0 : i32
          %get3A_251 = arith.index_cast %get3A_250 : i32 to index
          %get3A_252 = arith.index_cast %multiple_of3A_245 : i32 to index
          %get3A_253 = tpu.vector_load %arg6[%get3A_251, %get3A_252] {strides = array<i32>} : memref<2x3200xf32, #tpu.memory_space<vmem>>, vector<16xf32>,
          tpu.vector_store_idx %arg8[%get3A_249], %get3A_253 {add = true} : memref<50000xf32, #tpu.memory_space<vmem>>[vector<16xi32>], vector<16xf32>,
          %get3A_254 = arith.constant 0 : i32
          %get3A_255 = arith.index_cast %get3A_254 : i32 to index
          %get3A_256 = arith.index_cast %multiple_of3A_245 : i32 to index
          %get3A_257 = tpu.vector_load %arg7[%get3A_255, %get3A_256] {strides = array<i32>} : memref<2x3200xf32, #tpu.memory_space<vmem>>, vector<16xf32>,
          tpu.vector_store_idx %arg9[%get3A_249], %get3A_257 {add = true} : memref<50000xf32, #tpu.memory_space<vmem>>[vector<16xi32>], vector<16xf32>,
          %mul3A_258 = arith.constant 16 : i32
          %mul3A_259 = arith.muli %scan3A_220, %mul3A_258 : i32
          %mul3A_260 = arith.constant 5 : i32
          %mul3A_261 = arith.muli %mul3A_259, %mul3A_260 : i32
          %add3A_262 = arith.constant 32 : i32
          %add3A_263 = arith.addi %mul3A_261, %add3A_262 : i32
          %multiple_of3A_264 = tpu.assume_multiple %add3A_263, 8 : i32
          %get3A_265 = arith.constant 0 : i32
          %get3A_266 = arith.index_cast %get3A_265 : i32 to index
          %get3A_267 = arith.index_cast %multiple_of3A_264 : i32 to index
          %get3A_268 = tpu.vector_load %arg5[%get3A_266, %get3A_267] {strides = array<i32>} : memref<2x3200xi32, #tpu.memory_space<vmem>>, vector<16xi32>,
          %get3A_269 = arith.constant 0 : i32
          %get3A_270 = arith.index_cast %get3A_269 : i32 to index
          %get3A_271 = arith.index_cast %multiple_of3A_264 : i32 to index
          %get3A_272 = tpu.vector_load %arg6[%get3A_270, %get3A_271] {strides = array<i32>} : memref<2x3200xf32, #tpu.memory_space<vmem>>, vector<16xf32>,
          tpu.vector_store_idx %arg8[%get3A_268], %get3A_272 {add = true} : memref<50000xf32, #tpu.memory_space<vmem>>[vector<16xi32>], vector<16xf32>,
          %get3A_273 = arith.constant 0 : i32
          %get3A_274 = arith.index_cast %get3A_273 : i32 to index
          %get3A_275 = arith.index_cast %multiple_of3A_264 : i32 to index
          %get3A_276 = tpu.vector_load %arg7[%get3A_274, %get3A_275] {strides = array<i32>} : memref<2x3200xf32, #tpu.memory_space<vmem>>, vector<16xf32>,
          tpu.vector_store_idx %arg9[%get3A_268], %get3A_276 {add = true} : memref<50000xf32, #tpu.memory_space<vmem>>[vector<16xi32>], vector<16xf32>,
          %mul3A_277 = arith.constant 16 : i32
          %mul3A_278 = arith.muli %scan3A_220, %mul3A_277 : i32
          %mul3A_279 = arith.constant 5 : i32
          %mul3A_280 = arith.muli %mul3A_278, %mul3A_279 : i32
          %add3A_281 = arith.constant 48 : i32
          %add3A_282 = arith.addi %mul3A_280, %add3A_281 : i32
          %multiple_of3A_283 = tpu.assume_multiple %add3A_282, 8 : i32
          %get3A_284 = arith.constant 0 : i32
          %get3A_285 = arith.index_cast %get3A_284 : i32 to index
          %get3A_286 = arith.index_cast %multiple_of3A_283 : i32 to index
          %get3A_287 = tpu.vector_load %arg5[%get3A_285, %get3A_286] {strides = array<i32>} : memref<2x3200xi32, #tpu.memory_space<vmem>>, vector<16xi32>,
          %get3A_288 = arith.constant 0 : i32
          %get3A_289 = arith.index_cast %get3A_288 : i32 to index
          %get3A_290 = arith.index_cast %multiple_of3A_283 : i32 to index
          %get3A_291 = tpu.vector_load %arg6[%get3A_289, %get3A_290] {strides = array<i32>} : memref<2x3200xf32, #tpu.memory_space<vmem>>, vector<16xf32>,
          tpu.vector_store_idx %arg8[%get3A_287], %get3A_291 {add = true} : memref<50000xf32, #tpu.memory_space<vmem>>[vector<16xi32>], vector<16xf32>,
          %get3A_292 = arith.constant 0 : i32
          %get3A_293 = arith.index_cast %get3A_292 : i32 to index
          %get3A_294 = arith.index_cast %multiple_of3A_283 : i32 to index
          %get3A_295 = tpu.vector_load %arg7[%get3A_293, %get3A_294] {strides = array<i32>} : memref<2x3200xf32, #tpu.memory_space<vmem>>, vector<16xf32>,
          tpu.vector_store_idx %arg9[%get3A_287], %get3A_295 {add = true} : memref<50000xf32, #tpu.memory_space<vmem>>[vector<16xi32>], vector<16xf32>,
          %mul3A_296 = arith.constant 16 : i32
          %mul3A_297 = arith.muli %scan3A_220, %mul3A_296 : i32
          %mul3A_298 = arith.constant 5 : i32
          %mul3A_299 = arith.muli %mul3A_297, %mul3A_298 : i32
          %add3A_300 = arith.constant 64 : i32
          %add3A_301 = arith.addi %mul3A_299, %add3A_300 : i32
          %multiple_of3A_302 = tpu.assume_multiple %add3A_301, 8 : i32
          %get3A_303 = arith.constant 0 : i32
          %get3A_304 = arith.index_cast %get3A_303 : i32 to index
          %get3A_305 = arith.index_cast %multiple_of3A_302 : i32 to index
          %get3A_306 = tpu.vector_load %arg5[%get3A_304, %get3A_305] {strides = array<i32>} : memref<2x3200xi32, #tpu.memory_space<vmem>>, vector<16xi32>,
          %get3A_307 = arith.constant 0 : i32
          %get3A_308 = arith.index_cast %get3A_307 : i32 to index
          %get3A_309 = arith.index_cast %multiple_of3A_302 : i32 to index
          %get3A_310 = tpu.vector_load %arg6[%get3A_308, %get3A_309] {strides = array<i32>} : memref<2x3200xf32, #tpu.memory_space<vmem>>, vector<16xf32>,
          tpu.vector_store_idx %arg8[%get3A_306], %get3A_310 {add = true} : memref<50000xf32, #tpu.memory_space<vmem>>[vector<16xi32>], vector<16xf32>,
          %get3A_311 = arith.constant 0 : i32
          %get3A_312 = arith.index_cast %get3A_311 : i32 to index
          %get3A_313 = arith.index_cast %multiple_of3A_302 : i32 to index
          %get3A_314 = tpu.vector_load %arg7[%get3A_312, %get3A_313] {strides = array<i32>} : memref<2x3200xf32, #tpu.memory_space<vmem>>, vector<16xf32>,
          tpu.vector_store_idx %arg9[%get3A_306], %get3A_314 {add = true} : memref<50000xf32, #tpu.memory_space<vmem>>[vector<16xi32>], vector<16xf32>,
        }
        %scan3A_166 = arith.constant 40 : i32
        %add3A_167 = arith.constant 2 : i32
        %add3A_168 = arith.addi %mul3A_77, %add3A_167 : i32
        %lt3A = arith.constant 50 : i32
        %lt3A_169 = arith.cmpi slt, %add3A_168, %lt3A : i32
        %convert_element_type3A = arith.extui %lt3A_169 : i1 to i32
        %cond3A = arith.constant 0 : i32
        %cond3A_170 = arith.cmpi ne, %convert_element_type3A, %cond3A : i32
        scf.if %cond3A_170 {
          %add3A_220 = arith.constant 2 : i32
          %add3A_221 = arith.addi %mul3A_77, %add3A_220 : i32
          %mul3A_222 = arith.constant 3200 : i32
          %mul3A_223 = arith.muli %add3A_221, %mul3A_222 : i32
          %multiple_of3A_224 = tpu.assume_multiple %mul3A_223, 8 : i32
          %add3A_225 = arith.addi %multiple_of3A, %multiple_of3A_224 : i32
          %add3A_226 = arith.addi %multiple_of3A_18, %multiple_of3A_224 : i32
          %dma_start3A_227 = arith.constant 0 : i32
          %dma_start3A_228 = arith.constant 0 : i32
          %dma_start3A_229 = arith.constant 0 : i32
          %dma_start3A_230 = tpu.memref_slice %arg5[%dma_start3A_227, %dma_start3A_229] : memref<2x3200xi32, #tpu.memory_space<vmem>> -> memref<1x3200xi32, #tpu.memory_space<vmem>>
          %dma_start3A_231 = tpu.memref_squeeze %dma_start3A_230 : memref<1x3200xi32, #tpu.memory_space<vmem>> -> memref<3200xi32, #tpu.memory_space<vmem>>
          %dma_start3A_232 = tpu.memref_slice %arg2[%multiple_of3A_224] : memref<160000xi32, #tpu.memory_space<hbm>> -> memref<3200xi32, #tpu.memory_space<hbm>>
          %dma_start3A_233 = tpu.memref_slice %arg10[%dma_start3A_228] : memref<2x!tpu.dma_semaphore, #tpu.memory_space<semaphore_mem>> -> memref<1x!tpu.dma_semaphore, #tpu.memory_space<semaphore_mem>>
          %dma_start3A_234 = tpu.memref_squeeze %dma_start3A_233 : memref<1x!tpu.dma_semaphore, #tpu.memory_space<semaphore_mem>> -> memref<!tpu.dma_semaphore, #tpu.memory_space<semaphore_mem>>
          %dma_start3A_235 = arith.constant 0 : i32
          %dma_start3A_236 = tpu.memref_slice %arg5[%dma_start3A_227, %dma_start3A_235] : memref<2x3200xi32, #tpu.memory_space<vmem>> -> memref<1x3200xi32, #tpu.memory_space<vmem>>
          %dma_start3A_237 = tpu.memref_squeeze %dma_start3A_236 : memref<1x3200xi32, #tpu.memory_space<vmem>> -> memref<3200xi32, #tpu.memory_space<vmem>>
          %dma_start3A_238 = tpu.memref_slice %arg2[%multiple_of3A_224] : memref<160000xi32, #tpu.memory_space<hbm>> -> memref<3200xi32, #tpu.memory_space<hbm>>
          tpu.enqueue_dma source(%dma_start3A_238 : memref<3200xi32, #tpu.memory_space<hbm>>) target(%dma_start3A_237 : memref<3200xi32, #tpu.memory_space<vmem>>) target_semaphore(%dma_start3A_234 : memref<!tpu.dma_semaphore, #tpu.memory_space<semaphore_mem>>)
          %dma_start3A_239 = arith.constant 0 : i32
          %dma_start3A_240 = arith.constant 0 : i32
          %dma_start3A_241 = arith.constant 0 : i32
          %dma_start3A_242 = tpu.memref_slice %arg6[%dma_start3A_239, %dma_start3A_241] : memref<2x3200xf32, #tpu.memory_space<vmem>> -> memref<1x3200xf32, #tpu.memory_space<vmem>>
          %dma_start3A_243 = tpu.memref_squeeze %dma_start3A_242 : memref<1x3200xf32, #tpu.memory_space<vmem>> -> memref<3200xf32, #tpu.memory_space<vmem>>
          %dma_start3A_244 = tpu.memref_slice %arg3[%add3A_225] : memref<40960000xf32, #tpu.memory_space<hbm>> -> memref<3200xf32, #tpu.memory_space<hbm>>
          %dma_start3A_245 = tpu.memref_slice %arg10[%dma_start3A_240] : memref<2x!tpu.dma_semaphore, #tpu.memory_space<semaphore_mem>> -> memref<1x!tpu.dma_semaphore, #tpu.memory_space<semaphore_mem>>
          %dma_start3A_246 = tpu.memref_squeeze %dma_start3A_245 : memref<1x!tpu.dma_semaphore, #tpu.memory_space<semaphore_mem>> -> memref<!tpu.dma_semaphore, #tpu.memory_space<semaphore_mem>>
          %dma_start3A_247 = arith.constant 0 : i32
          %dma_start3A_248 = tpu.memref_slice %arg6[%dma_start3A_239, %dma_start3A_247] : memref<2x3200xf32, #tpu.memory_space<vmem>> -> memref<1x3200xf32, #tpu.memory_space<vmem>>
          %dma_start3A_249 = tpu.memref_squeeze %dma_start3A_248 : memref<1x3200xf32, #tpu.memory_space<vmem>> -> memref<3200xf32, #tpu.memory_space<vmem>>
          %dma_start3A_250 = tpu.memref_slice %arg3[%add3A_225] : memref<40960000xf32, #tpu.memory_space<hbm>> -> memref<3200xf32, #tpu.memory_space<hbm>>
          tpu.enqueue_dma source(%dma_start3A_250 : memref<3200xf32, #tpu.memory_space<hbm>>) target(%dma_start3A_249 : memref<3200xf32, #tpu.memory_space<vmem>>) target_semaphore(%dma_start3A_246 : memref<!tpu.dma_semaphore, #tpu.memory_space<semaphore_mem>>)
          %dma_start3A_251 = arith.constant 0 : i32
          %dma_start3A_252 = arith.constant 0 : i32
          %dma_start3A_253 = arith.constant 0 : i32
          %dma_start3A_254 = tpu.memref_slice %arg7[%dma_start3A_251, %dma_start3A_253] : memref<2x3200xf32, #tpu.memory_space<vmem>> -> memref<1x3200xf32, #tpu.memory_space<vmem>>
          %dma_start3A_255 = tpu.memref_squeeze %dma_start3A_254 : memref<1x3200xf32, #tpu.memory_space<vmem>> -> memref<3200xf32, #tpu.memory_space<vmem>>
          %dma_start3A_256 = tpu.memref_slice %arg3[%add3A_226] : memref<40960000xf32, #tpu.memory_space<hbm>> -> memref<3200xf32, #tpu.memory_space<hbm>>
          %dma_start3A_257 = tpu.memref_slice %arg10[%dma_start3A_252] : memref<2x!tpu.dma_semaphore, #tpu.memory_space<semaphore_mem>> -> memref<1x!tpu.dma_semaphore, #tpu.memory_space<semaphore_mem>>
          %dma_start3A_258 = tpu.memref_squeeze %dma_start3A_257 : memref<1x!tpu.dma_semaphore, #tpu.memory_space<semaphore_mem>> -> memref<!tpu.dma_semaphore, #tpu.memory_space<semaphore_mem>>
          %dma_start3A_259 = arith.constant 0 : i32
          %dma_start3A_260 = tpu.memref_slice %arg7[%dma_start3A_251, %dma_start3A_259] : memref<2x3200xf32, #tpu.memory_space<vmem>> -> memref<1x3200xf32, #tpu.memory_space<vmem>>
          %dma_start3A_261 = tpu.memref_squeeze %dma_start3A_260 : memref<1x3200xf32, #tpu.memory_space<vmem>> -> memref<3200xf32, #tpu.memory_space<vmem>>
          %dma_start3A_262 = tpu.memref_slice %arg3[%add3A_226] : memref<40960000xf32, #tpu.memory_space<hbm>> -> memref<3200xf32, #tpu.memory_space<hbm>>
          tpu.enqueue_dma source(%dma_start3A_262 : memref<3200xf32, #tpu.memory_space<hbm>>) target(%dma_start3A_261 : memref<3200xf32, #tpu.memory_space<vmem>>) target_semaphore(%dma_start3A_258 : memref<!tpu.dma_semaphore, #tpu.memory_space<semaphore_mem>>)
        } else {
        }
        %add3A_171 = arith.constant 1 : i32
        %add3A_172 = arith.addi %mul3A_77, %add3A_171 : i32
        %mul3A_173 = arith.constant 3200 : i32
        %mul3A_174 = arith.muli %add3A_172, %mul3A_173 : i32
        %multiple_of3A_175 = tpu.assume_multiple %mul3A_174, 8 : i32
        %add3A_176 = arith.addi %multiple_of3A, %multiple_of3A_175 : i32
        %add3A_177 = arith.addi %multiple_of3A_18, %multiple_of3A_175 : i32
        %dma_wait3A_178 = arith.constant 1 : i32
        %dma_wait3A_179 = arith.constant 1 : i32
        %dma_wait3A_180 = arith.constant 0 : i32
        %dma_wait3A_181 = tpu.memref_slice %arg5[%dma_wait3A_178, %dma_wait3A_180] : memref<2x3200xi32, #tpu.memory_space<vmem>> -> memref<1x3200xi32, #tpu.memory_space<vmem>>
        %dma_wait3A_182 = tpu.memref_squeeze %dma_wait3A_181 : memref<1x3200xi32, #tpu.memory_space<vmem>> -> memref<3200xi32, #tpu.memory_space<vmem>>
        %dma_wait3A_183 = tpu.memref_slice %arg2[%multiple_of3A_175] : memref<160000xi32, #tpu.memory_space<hbm>> -> memref<3200xi32, #tpu.memory_space<hbm>>
        %dma_wait3A_184 = tpu.memref_slice %arg10[%dma_wait3A_179] : memref<2x!tpu.dma_semaphore, #tpu.memory_space<semaphore_mem>> -> memref<1x!tpu.dma_semaphore, #tpu.memory_space<semaphore_mem>>
        %dma_wait3A_185 = tpu.memref_squeeze %dma_wait3A_184 : memref<1x!tpu.dma_semaphore, #tpu.memory_space<semaphore_mem>> -> memref<!tpu.dma_semaphore, #tpu.memory_space<semaphore_mem>>
        %dma_wait3A_186 = arith.constant 0 : i32
        %dma_wait3A_187 = tpu.memref_slice %arg5[%dma_wait3A_178, %dma_wait3A_186] : memref<2x3200xi32, #tpu.memory_space<vmem>> -> memref<1x3200xi32, #tpu.memory_space<vmem>>
        %dma_wait3A_188 = tpu.memref_squeeze %dma_wait3A_187 : memref<1x3200xi32, #tpu.memory_space<vmem>> -> memref<3200xi32, #tpu.memory_space<vmem>>
        %dma_wait3A_189 = tpu.memref_slice %arg2[%multiple_of3A_175] : memref<160000xi32, #tpu.memory_space<hbm>> -> memref<3200xi32, #tpu.memory_space<hbm>>
        tpu.wait_dma2 semaphore(%dma_wait3A_185 : memref<!tpu.dma_semaphore, #tpu.memory_space<semaphore_mem>>) src(%dma_wait3A_189 : memref<3200xi32, #tpu.memory_space<hbm>>) dst(%dma_wait3A_188 : memref<3200xi32, #tpu.memory_space<vmem>>)
        %dma_wait3A_190 = arith.constant 1 : i32
        %dma_wait3A_191 = arith.constant 1 : i32
        %dma_wait3A_192 = arith.constant 0 : i32
        %dma_wait3A_193 = tpu.memref_slice %arg6[%dma_wait3A_190, %dma_wait3A_192] : memref<2x3200xf32, #tpu.memory_space<vmem>> -> memref<1x3200xf32, #tpu.memory_space<vmem>>
        %dma_wait3A_194 = tpu.memref_squeeze %dma_wait3A_193 : memref<1x3200xf32, #tpu.memory_space<vmem>> -> memref<3200xf32, #tpu.memory_space<vmem>>
        %dma_wait3A_195 = tpu.memref_slice %arg3[%add3A_176] : memref<40960000xf32, #tpu.memory_space<hbm>> -> memref<3200xf32, #tpu.memory_space<hbm>>
        %dma_wait3A_196 = tpu.memref_slice %arg10[%dma_wait3A_191] : memref<2x!tpu.dma_semaphore, #tpu.memory_space<semaphore_mem>> -> memref<1x!tpu.dma_semaphore, #tpu.memory_space<semaphore_mem>>
        %dma_wait3A_197 = tpu.memref_squeeze %dma_wait3A_196 : memref<1x!tpu.dma_semaphore, #tpu.memory_space<semaphore_mem>> -> memref<!tpu.dma_semaphore, #tpu.memory_space<semaphore_mem>>
        %dma_wait3A_198 = arith.constant 0 : i32
        %dma_wait3A_199 = tpu.memref_slice %arg6[%dma_wait3A_190, %dma_wait3A_198] : memref<2x3200xf32, #tpu.memory_space<vmem>> -> memref<1x3200xf32, #tpu.memory_space<vmem>>
        %dma_wait3A_200 = tpu.memref_squeeze %dma_wait3A_199 : memref<1x3200xf32, #tpu.memory_space<vmem>> -> memref<3200xf32, #tpu.memory_space<vmem>>
        %dma_wait3A_201 = tpu.memref_slice %arg3[%add3A_176] : memref<40960000xf32, #tpu.memory_space<hbm>> -> memref<3200xf32, #tpu.memory_space<hbm>>
        tpu.wait_dma2 semaphore(%dma_wait3A_197 : memref<!tpu.dma_semaphore, #tpu.memory_space<semaphore_mem>>) src(%dma_wait3A_201 : memref<3200xf32, #tpu.memory_space<hbm>>) dst(%dma_wait3A_200 : memref<3200xf32, #tpu.memory_space<vmem>>)
        %dma_wait3A_202 = arith.constant 1 : i32
        %dma_wait3A_203 = arith.constant 1 : i32
        %dma_wait3A_204 = arith.constant 0 : i32
        %dma_wait3A_205 = tpu.memref_slice %arg7[%dma_wait3A_202, %dma_wait3A_204] : memref<2x3200xf32, #tpu.memory_space<vmem>> -> memref<1x3200xf32, #tpu.memory_space<vmem>>
        %dma_wait3A_206 = tpu.memref_squeeze %dma_wait3A_205 : memref<1x3200xf32, #tpu.memory_space<vmem>> -> memref<3200xf32, #tpu.memory_space<vmem>>
        %dma_wait3A_207 = tpu.memref_slice %arg3[%add3A_177] : memref<40960000xf32, #tpu.memory_space<hbm>> -> memref<3200xf32, #tpu.memory_space<hbm>>
        %dma_wait3A_208 = tpu.memref_slice %arg10[%dma_wait3A_203] : memref<2x!tpu.dma_semaphore, #tpu.memory_space<semaphore_mem>> -> memref<1x!tpu.dma_semaphore, #tpu.memory_space<semaphore_mem>>
        %dma_wait3A_209 = tpu.memref_squeeze %dma_wait3A_208 : memref<1x!tpu.dma_semaphore, #tpu.memory_space<semaphore_mem>> -> memref<!tpu.dma_semaphore, #tpu.memory_space<semaphore_mem>>
        %dma_wait3A_210 = arith.constant 0 : i32
        %dma_wait3A_211 = tpu.memref_slice %arg7[%dma_wait3A_202, %dma_wait3A_210] : memref<2x3200xf32, #tpu.memory_space<vmem>> -> memref<1x3200xf32, #tpu.memory_space<vmem>>
        %dma_wait3A_212 = tpu.memref_squeeze %dma_wait3A_211 : memref<1x3200xf32, #tpu.memory_space<vmem>> -> memref<3200xf32, #tpu.memory_space<vmem>>
        %dma_wait3A_213 = tpu.memref_slice %arg3[%add3A_177] : memref<40960000xf32, #tpu.memory_space<hbm>> -> memref<3200xf32, #tpu.memory_space<hbm>>
        tpu.wait_dma2 semaphore(%dma_wait3A_209 : memref<!tpu.dma_semaphore, #tpu.memory_space<semaphore_mem>>) src(%dma_wait3A_213 : memref<3200xf32, #tpu.memory_space<hbm>>) dst(%dma_wait3A_212 : memref<3200xf32, #tpu.memory_space<vmem>>)
        %scan3A_214 = arith.constant 0 : i32
        %scan3A_215 = arith.constant 0 : i32
        %scan3A_216 = arith.constant 40 : i32
        %scan3A_217 = arith.addi %scan3A_215, %scan3A_216 : i32
        %scan3A_218 = arith.constant 1 : i32
        scf.for %scan3A_220 = %scan3A_215 to %scan3A_217 step %scan3A_218  : i32 {
          %mul3A_221 = arith.constant 16 : i32
          %mul3A_222 = arith.muli %scan3A_220, %mul3A_221 : i32
          %mul3A_223 = arith.constant 5 : i32
          %mul3A_224 = arith.muli %mul3A_222, %mul3A_223 : i32
          %add3A_225 = arith.constant 0 : i32
          %add3A_226 = arith.addi %mul3A_224, %add3A_225 : i32
          %multiple_of3A_227 = tpu.assume_multiple %add3A_226, 8 : i32
          %get3A = arith.constant 1 : i32
          %get3A_228 = arith.index_cast %get3A : i32 to index
          %get3A_229 = arith.index_cast %multiple_of3A_227 : i32 to index
          %get3A_230 = tpu.vector_load %arg5[%get3A_228, %get3A_229] {strides = array<i32>} : memref<2x3200xi32, #tpu.memory_space<vmem>>, vector<16xi32>,
          %get3A_231 = arith.constant 1 : i32
          %get3A_232 = arith.index_cast %get3A_231 : i32 to index
          %get3A_233 = arith.index_cast %multiple_of3A_227 : i32 to index
          %get3A_234 = tpu.vector_load %arg6[%get3A_232, %get3A_233] {strides = array<i32>} : memref<2x3200xf32, #tpu.memory_space<vmem>>, vector<16xf32>,
          tpu.vector_store_idx %arg8[%get3A_230], %get3A_234 {add = true} : memref<50000xf32, #tpu.memory_space<vmem>>[vector<16xi32>], vector<16xf32>,
          %get3A_235 = arith.constant 1 : i32
          %get3A_236 = arith.index_cast %get3A_235 : i32 to index
          %get3A_237 = arith.index_cast %multiple_of3A_227 : i32 to index
          %get3A_238 = tpu.vector_load %arg7[%get3A_236, %get3A_237] {strides = array<i32>} : memref<2x3200xf32, #tpu.memory_space<vmem>>, vector<16xf32>,
          tpu.vector_store_idx %arg9[%get3A_230], %get3A_238 {add = true} : memref<50000xf32, #tpu.memory_space<vmem>>[vector<16xi32>], vector<16xf32>,
          %mul3A_239 = arith.constant 16 : i32
          %mul3A_240 = arith.muli %scan3A_220, %mul3A_239 : i32
          %mul3A_241 = arith.constant 5 : i32
          %mul3A_242 = arith.muli %mul3A_240, %mul3A_241 : i32
          %add3A_243 = arith.constant 16 : i32
          %add3A_244 = arith.addi %mul3A_242, %add3A_243 : i32
          %multiple_of3A_245 = tpu.assume_multiple %add3A_244, 8 : i32
          %get3A_246 = arith.constant 1 : i32
          %get3A_247 = arith.index_cast %get3A_246 : i32 to index
          %get3A_248 = arith.index_cast %multiple_of3A_245 : i32 to index
          %get3A_249 = tpu.vector_load %arg5[%get3A_247, %get3A_248] {strides = array<i32>} : memref<2x3200xi32, #tpu.memory_space<vmem>>, vector<16xi32>,
          %get3A_250 = arith.constant 1 : i32
          %get3A_251 = arith.index_cast %get3A_250 : i32 to index
          %get3A_252 = arith.index_cast %multiple_of3A_245 : i32 to index
          %get3A_253 = tpu.vector_load %arg6[%get3A_251, %get3A_252] {strides = array<i32>} : memref<2x3200xf32, #tpu.memory_space<vmem>>, vector<16xf32>,
          tpu.vector_store_idx %arg8[%get3A_249], %get3A_253 {add = true} : memref<50000xf32, #tpu.memory_space<vmem>>[vector<16xi32>], vector<16xf32>,
          %get3A_254 = arith.constant 1 : i32
          %get3A_255 = arith.index_cast %get3A_254 : i32 to index
          %get3A_256 = arith.index_cast %multiple_of3A_245 : i32 to index
          %get3A_257 = tpu.vector_load %arg7[%get3A_255, %get3A_256] {strides = array<i32>} : memref<2x3200xf32, #tpu.memory_space<vmem>>, vector<16xf32>,
          tpu.vector_store_idx %arg9[%get3A_249], %get3A_257 {add = true} : memref<50000xf32, #tpu.memory_space<vmem>>[vector<16xi32>], vector<16xf32>,
          %mul3A_258 = arith.constant 16 : i32
          %mul3A_259 = arith.muli %scan3A_220, %mul3A_258 : i32
          %mul3A_260 = arith.constant 5 : i32
          %mul3A_261 = arith.muli %mul3A_259, %mul3A_260 : i32
          %add3A_262 = arith.constant 32 : i32
          %add3A_263 = arith.addi %mul3A_261, %add3A_262 : i32
          %multiple_of3A_264 = tpu.assume_multiple %add3A_263, 8 : i32
          %get3A_265 = arith.constant 1 : i32
          %get3A_266 = arith.index_cast %get3A_265 : i32 to index
          %get3A_267 = arith.index_cast %multiple_of3A_264 : i32 to index
          %get3A_268 = tpu.vector_load %arg5[%get3A_266, %get3A_267] {strides = array<i32>} : memref<2x3200xi32, #tpu.memory_space<vmem>>, vector<16xi32>,
          %get3A_269 = arith.constant 1 : i32
          %get3A_270 = arith.index_cast %get3A_269 : i32 to index
          %get3A_271 = arith.index_cast %multiple_of3A_264 : i32 to index
          %get3A_272 = tpu.vector_load %arg6[%get3A_270, %get3A_271] {strides = array<i32>} : memref<2x3200xf32, #tpu.memory_space<vmem>>, vector<16xf32>,
          tpu.vector_store_idx %arg8[%get3A_268], %get3A_272 {add = true} : memref<50000xf32, #tpu.memory_space<vmem>>[vector<16xi32>], vector<16xf32>,
          %get3A_273 = arith.constant 1 : i32
          %get3A_274 = arith.index_cast %get3A_273 : i32 to index
          %get3A_275 = arith.index_cast %multiple_of3A_264 : i32 to index
          %get3A_276 = tpu.vector_load %arg7[%get3A_274, %get3A_275] {strides = array<i32>} : memref<2x3200xf32, #tpu.memory_space<vmem>>, vector<16xf32>,
          tpu.vector_store_idx %arg9[%get3A_268], %get3A_276 {add = true} : memref<50000xf32, #tpu.memory_space<vmem>>[vector<16xi32>], vector<16xf32>,
          %mul3A_277 = arith.constant 16 : i32
          %mul3A_278 = arith.muli %scan3A_220, %mul3A_277 : i32
          %mul3A_279 = arith.constant 5 : i32
          %mul3A_280 = arith.muli %mul3A_278, %mul3A_279 : i32
          %add3A_281 = arith.constant 48 : i32
          %add3A_282 = arith.addi %mul3A_280, %add3A_281 : i32
          %multiple_of3A_283 = tpu.assume_multiple %add3A_282, 8 : i32
          %get3A_284 = arith.constant 1 : i32
          %get3A_285 = arith.index_cast %get3A_284 : i32 to index
          %get3A_286 = arith.index_cast %multiple_of3A_283 : i32 to index
          %get3A_287 = tpu.vector_load %arg5[%get3A_285, %get3A_286] {strides = array<i32>} : memref<2x3200xi32, #tpu.memory_space<vmem>>, vector<16xi32>,
          %get3A_288 = arith.constant 1 : i32
          %get3A_289 = arith.index_cast %get3A_288 : i32 to index
          %get3A_290 = arith.index_cast %multiple_of3A_283 : i32 to index
          %get3A_291 = tpu.vector_load %arg6[%get3A_289, %get3A_290] {strides = array<i32>} : memref<2x3200xf32, #tpu.memory_space<vmem>>, vector<16xf32>,
          tpu.vector_store_idx %arg8[%get3A_287], %get3A_291 {add = true} : memref<50000xf32, #tpu.memory_space<vmem>>[vector<16xi32>], vector<16xf32>,
          %get3A_292 = arith.constant 1 : i32
          %get3A_293 = arith.index_cast %get3A_292 : i32 to index
          %get3A_294 = arith.index_cast %multiple_of3A_283 : i32 to index
          %get3A_295 = tpu.vector_load %arg7[%get3A_293, %get3A_294] {strides = array<i32>} : memref<2x3200xf32, #tpu.memory_space<vmem>>, vector<16xf32>,
          tpu.vector_store_idx %arg9[%get3A_287], %get3A_295 {add = true} : memref<50000xf32, #tpu.memory_space<vmem>>[vector<16xi32>], vector<16xf32>,
          %mul3A_296 = arith.constant 16 : i32
          %mul3A_297 = arith.muli %scan3A_220, %mul3A_296 : i32
          %mul3A_298 = arith.constant 5 : i32
          %mul3A_299 = arith.muli %mul3A_297, %mul3A_298 : i32
          %add3A_300 = arith.constant 64 : i32
          %add3A_301 = arith.addi %mul3A_299, %add3A_300 : i32
          %multiple_of3A_302 = tpu.assume_multiple %add3A_301, 8 : i32
          %get3A_303 = arith.constant 1 : i32
          %get3A_304 = arith.index_cast %get3A_303 : i32 to index
          %get3A_305 = arith.index_cast %multiple_of3A_302 : i32 to index
          %get3A_306 = tpu.vector_load %arg5[%get3A_304, %get3A_305] {strides = array<i32>} : memref<2x3200xi32, #tpu.memory_space<vmem>>, vector<16xi32>,
          %get3A_307 = arith.constant 1 : i32
          %get3A_308 = arith.index_cast %get3A_307 : i32 to index
          %get3A_309 = arith.index_cast %multiple_of3A_302 : i32 to index
          %get3A_310 = tpu.vector_load %arg6[%get3A_308, %get3A_309] {strides = array<i32>} : memref<2x3200xf32, #tpu.memory_space<vmem>>, vector<16xf32>,
          tpu.vector_store_idx %arg8[%get3A_306], %get3A_310 {add = true} : memref<50000xf32, #tpu.memory_space<vmem>>[vector<16xi32>], vector<16xf32>,
          %get3A_311 = arith.constant 1 : i32
          %get3A_312 = arith.index_cast %get3A_311 : i32 to index
          %get3A_313 = arith.index_cast %multiple_of3A_302 : i32 to index
          %get3A_314 = tpu.vector_load %arg7[%get3A_312, %get3A_313] {strides = array<i32>} : memref<2x3200xf32, #tpu.memory_space<vmem>>, vector<16xf32>,
          tpu.vector_store_idx %arg9[%get3A_306], %get3A_314 {add = true} : memref<50000xf32, #tpu.memory_space<vmem>>[vector<16xi32>], vector<16xf32>,
        }
        %scan3A_219 = arith.constant 40 : i32
      }
      %scan3A_69 = arith.constant 25 : i32
      %mul3A_70 = arith.constant 50000 : i32
      %mul3A_71 = arith.muli %add3A_11, %mul3A_70 : i32
      %multiple_of3A_72 = tpu.assume_multiple %mul3A_71, 8 : i32
      "tpu.region"() ({
        %run_scoped3A = tpu.sem_alloc : memref<!tpu.dma_semaphore, #tpu.memory_space<semaphore_mem>>
        %dma_start3A_75 = tpu.memref_slice %arg4[%multiple_of3A_72] : memref<12800000xf32, #tpu.memory_space<hbm>> -> memref<50000xf32, #tpu.memory_space<hbm>>
        %dma_start3A_76 = tpu.memref_slice %arg4[%multiple_of3A_72] : memref<12800000xf32, #tpu.memory_space<hbm>> -> memref<50000xf32, #tpu.memory_space<hbm>>
        tpu.enqueue_dma source(%arg8 : memref<50000xf32, #tpu.memory_space<vmem>>) target(%dma_start3A_76 : memref<50000xf32, #tpu.memory_space<hbm>>) target_semaphore(%run_scoped3A : memref<!tpu.dma_semaphore, #tpu.memory_space<semaphore_mem>>)
        %dma_wait3A = tpu.memref_slice %arg4[%multiple_of3A_72] : memref<12800000xf32, #tpu.memory_space<hbm>> -> memref<50000xf32, #tpu.memory_space<hbm>>
        %dma_wait3A_77 = tpu.memref_slice %arg4[%multiple_of3A_72] : memref<12800000xf32, #tpu.memory_space<hbm>> -> memref<50000xf32, #tpu.memory_space<hbm>>
        tpu.wait_dma2 semaphore(%run_scoped3A : memref<!tpu.dma_semaphore, #tpu.memory_space<semaphore_mem>>) src(%arg8 : memref<50000xf32, #tpu.memory_space<vmem>>) dst(%dma_wait3A_77 : memref<50000xf32, #tpu.memory_space<hbm>>)
        tpu.yield
      }) : () -> ()
      %add3A_73 = arith.constant 50000 : i32
      %add3A_74 = arith.addi %multiple_of3A_72, %add3A_73 : i32
      "tpu.region"() ({
        %run_scoped3A = tpu.sem_alloc : memref<!tpu.dma_semaphore, #tpu.memory_space<semaphore_mem>>
        %dma_start3A_75 = tpu.memref_slice %arg4[%add3A_74] : memref<12800000xf32, #tpu.memory_space<hbm>> -> memref<50000xf32, #tpu.memory_space<hbm>>
        %dma_start3A_76 = tpu.memref_slice %arg4[%add3A_74] : memref<12800000xf32, #tpu.memory_space<hbm>> -> memref<50000xf32, #tpu.memory_space<hbm>>
        tpu.enqueue_dma source(%arg9 : memref<50000xf32, #tpu.memory_space<vmem>>) target(%dma_start3A_76 : memref<50000xf32, #tpu.memory_space<hbm>>) target_semaphore(%run_scoped3A : memref<!tpu.dma_semaphore, #tpu.memory_space<semaphore_mem>>)
        %dma_wait3A = tpu.memref_slice %arg4[%add3A_74] : memref<12800000xf32, #tpu.memory_space<hbm>> -> memref<50000xf32, #tpu.memory_space<hbm>>
        %dma_wait3A_77 = tpu.memref_slice %arg4[%add3A_74] : memref<12800000xf32, #tpu.memory_space<hbm>> -> memref<50000xf32, #tpu.memory_space<hbm>>
        tpu.wait_dma2 semaphore(%run_scoped3A : memref<!tpu.dma_semaphore, #tpu.memory_space<semaphore_mem>>) src(%arg9 : memref<50000xf32, #tpu.memory_space<vmem>>) dst(%dma_wait3A_77 : memref<50000xf32, #tpu.memory_space<hbm>>)
        tpu.yield
      }) : () -> ()
    }
    %scan3A_5 = arith.constant 4 : i32
    return
  }
}

#map = affine_map<(d0, d1) -> (0)>
#map1 = affine_map<(d0, d1) -> (0, 0)>
module attributes {stable_mosaic.version = 14 : i64} {
  func.func @_sc_gather_body(%arg0: i32, %arg1: i32, %arg2: memref<160000xi32, #tpu.memory_space<hbm>>, %arg3: memref<160000xi32, #tpu.memory_space<hbm>>, %arg4: memref<10000x256xf32, #tpu.memory_space<hbm>>, %arg5: memref<50000x256xf32, #tpu.memory_space<hbm>>, %arg6: memref<160000x256xf32, #tpu.memory_space<hbm>>, %arg7: memref<160000x256xf32, #tpu.memory_space<hbm>>, %arg8: memref<5000xi32, #tpu.memory_space<vmem>>, %arg9: memref<5000xi32, #tpu.memory_space<vmem>>, %arg10: memref<128x256xf32, #tpu.memory_space<vmem>>, %arg11: memref<128x256xf32, #tpu.memory_space<vmem>>, %arg12: memref<!tpu.dma_semaphore, #tpu.memory_space<semaphore_mem>>, %arg13: memref<!tpu.dma_semaphore, #tpu.memory_space<semaphore_mem>>) attributes {dimension_semantics = [#tpu.dimension_semantics<core_parallel>, #tpu.dimension_semantics<subcore_parallel>], iteration_bounds = array<i64: 2, 16>, scalar_prefetch = 0 : i64, scratch_operands = 6 : i64, tpu.core_type = #tpu.core_type<sc_vector_subcore>, window_params = [{transform_indices = #map}, {transform_indices = #map}, {transform_indices = #map1}, {transform_indices = #map1}, {transform_indices = #map1}, {transform_indices = #map1}]} {
    %mul3A = arith.constant 2 : i32
    %mul3A_0 = arith.muli %arg1, %mul3A : i32
    %add3A = arith.addi %mul3A_0, %arg0 : i32
    %mul3A_1 = arith.constant 5000 : i32
    %mul3A_2 = arith.muli %add3A, %mul3A_1 : i32
    %multiple_of3A = tpu.assume_multiple %mul3A_2, 8 : i32
    "tpu.region"() ({
      %run_scoped3A = tpu.sem_alloc : memref<!tpu.dma_semaphore, #tpu.memory_space<semaphore_mem>>
      %dma_start3A_42 = tpu.memref_slice %arg2[%multiple_of3A] : memref<160000xi32, #tpu.memory_space<hbm>> -> memref<5000xi32, #tpu.memory_space<hbm>>
      %dma_start3A_43 = tpu.memref_slice %arg2[%multiple_of3A] : memref<160000xi32, #tpu.memory_space<hbm>> -> memref<5000xi32, #tpu.memory_space<hbm>>
      tpu.enqueue_dma source(%dma_start3A_43 : memref<5000xi32, #tpu.memory_space<hbm>>) target(%arg8 : memref<5000xi32, #tpu.memory_space<vmem>>) target_semaphore(%run_scoped3A : memref<!tpu.dma_semaphore, #tpu.memory_space<semaphore_mem>>)
      %dma_wait3A_44 = tpu.memref_slice %arg2[%multiple_of3A] : memref<160000xi32, #tpu.memory_space<hbm>> -> memref<5000xi32, #tpu.memory_space<hbm>>
      %dma_wait3A_45 = tpu.memref_slice %arg2[%multiple_of3A] : memref<160000xi32, #tpu.memory_space<hbm>> -> memref<5000xi32, #tpu.memory_space<hbm>>
      tpu.wait_dma2 semaphore(%run_scoped3A : memref<!tpu.dma_semaphore, #tpu.memory_space<semaphore_mem>>) src(%dma_wait3A_45 : memref<5000xi32, #tpu.memory_space<hbm>>) dst(%arg8 : memref<5000xi32, #tpu.memory_space<vmem>>)
      tpu.yield
    }) : () -> ()
    "tpu.region"() ({
      %run_scoped3A = tpu.sem_alloc : memref<!tpu.dma_semaphore, #tpu.memory_space<semaphore_mem>>
      %dma_start3A_42 = tpu.memref_slice %arg3[%multiple_of3A] : memref<160000xi32, #tpu.memory_space<hbm>> -> memref<5000xi32, #tpu.memory_space<hbm>>
      %dma_start3A_43 = tpu.memref_slice %arg3[%multiple_of3A] : memref<160000xi32, #tpu.memory_space<hbm>> -> memref<5000xi32, #tpu.memory_space<hbm>>
      tpu.enqueue_dma source(%dma_start3A_43 : memref<5000xi32, #tpu.memory_space<hbm>>) target(%arg9 : memref<5000xi32, #tpu.memory_space<vmem>>) target_semaphore(%run_scoped3A : memref<!tpu.dma_semaphore, #tpu.memory_space<semaphore_mem>>)
      %dma_wait3A_44 = tpu.memref_slice %arg3[%multiple_of3A] : memref<160000xi32, #tpu.memory_space<hbm>> -> memref<5000xi32, #tpu.memory_space<hbm>>
      %dma_wait3A_45 = tpu.memref_slice %arg3[%multiple_of3A] : memref<160000xi32, #tpu.memory_space<hbm>> -> memref<5000xi32, #tpu.memory_space<hbm>>
      tpu.wait_dma2 semaphore(%run_scoped3A : memref<!tpu.dma_semaphore, #tpu.memory_space<semaphore_mem>>) src(%dma_wait3A_45 : memref<5000xi32, #tpu.memory_space<hbm>>) dst(%arg9 : memref<5000xi32, #tpu.memory_space<vmem>>)
      tpu.yield
    }) : () -> ()
    %scan3A = arith.constant 0 : i32
    %scan3A_3 = arith.constant 0 : i32
    %scan3A_4 = arith.constant 39 : i32
    %scan3A_5 = arith.addi %scan3A_3, %scan3A_4 : i32
    %scan3A_6 = arith.constant 1 : i32
    scf.for %scan3A_42 = %scan3A_3 to %scan3A_5 step %scan3A_6  : i32 {
      %mul3A_43 = arith.constant 128 : i32
      %mul3A_44 = arith.muli %scan3A_42, %mul3A_43 : i32
      %multiple_of3A_45 = tpu.assume_multiple %mul3A_44, 8 : i32
      %dma_start3A_46 = tpu.memref_slice %arg8[%multiple_of3A_45] : memref<5000xi32, #tpu.memory_space<vmem>> -> memref<128xi32, #tpu.memory_space<vmem>>
      %dma_start3A_47 = arith.constant 0 : i32
      %dma_start3A_48 = arith.constant 0 : i32
      %dma_start3A_49 = tpu.memref_slice %arg4[%dma_start3A_47, %dma_start3A_48] : memref<10000x256xf32, #tpu.memory_space<hbm>> -> memref<10000x256xf32, #tpu.memory_space<hbm>>
      tpu.enqueue_indirect_dma source(%dma_start3A_49 : memref<10000x256xf32, #tpu.memory_space<hbm>>) target(%arg10 : memref<128x256xf32, #tpu.memory_space<vmem>>) offsets(%dma_start3A_46 : memref<128xi32, #tpu.memory_space<vmem>>) semaphore(%arg12 : memref<!tpu.dma_semaphore, #tpu.memory_space<semaphore_mem>>)
      %dma_start3A_50 = tpu.memref_slice %arg9[%multiple_of3A_45] : memref<5000xi32, #tpu.memory_space<vmem>> -> memref<128xi32, #tpu.memory_space<vmem>>
      %dma_start3A_51 = arith.constant 0 : i32
      %dma_start3A_52 = arith.constant 0 : i32
      %dma_start3A_53 = tpu.memref_slice %arg5[%dma_start3A_51, %dma_start3A_52] : memref<50000x256xf32, #tpu.memory_space<hbm>> -> memref<50000x256xf32, #tpu.memory_space<hbm>>
      tpu.enqueue_indirect_dma source(%dma_start3A_53 : memref<50000x256xf32, #tpu.memory_space<hbm>>) target(%arg11 : memref<128x256xf32, #tpu.memory_space<vmem>>) offsets(%dma_start3A_50 : memref<128xi32, #tpu.memory_space<vmem>>) semaphore(%arg13 : memref<!tpu.dma_semaphore, #tpu.memory_space<semaphore_mem>>)
      %dma_wait3A_54 = tpu.memref_slice %arg8[%multiple_of3A_45] : memref<5000xi32, #tpu.memory_space<vmem>> -> memref<128xi32, #tpu.memory_space<vmem>>
      %dma_wait3A_55 = arith.constant 0 : i32
      %dma_wait3A_56 = arith.constant 0 : i32
      %dma_wait3A_57 = tpu.memref_slice %arg4[%dma_wait3A_55, %dma_wait3A_56] : memref<10000x256xf32, #tpu.memory_space<hbm>> -> memref<10000x256xf32, #tpu.memory_space<hbm>>
      tpu.wait_indirect_dma semaphore(%arg12 : memref<!tpu.dma_semaphore, #tpu.memory_space<semaphore_mem>>) src(%dma_wait3A_57 : memref<10000x256xf32, #tpu.memory_space<hbm>>) dst(%arg10 : memref<128x256xf32, #tpu.memory_space<vmem>>)
      %add3A_58 = arith.addi %multiple_of3A, %multiple_of3A_45 : i32
      "tpu.region"() ({
        %run_scoped3A = tpu.sem_alloc : memref<!tpu.dma_semaphore, #tpu.memory_space<semaphore_mem>>
        %dma_start3A_64 = arith.constant 0 : i32
        %dma_start3A_65 = tpu.memref_slice %arg6[%add3A_58, %dma_start3A_64] : memref<160000x256xf32, #tpu.memory_space<hbm>> -> memref<128x256xf32, #tpu.memory_space<hbm>>
        %dma_start3A_66 = arith.constant 0 : i32
        %dma_start3A_67 = tpu.memref_slice %arg6[%add3A_58, %dma_start3A_66] : memref<160000x256xf32, #tpu.memory_space<hbm>> -> memref<128x256xf32, #tpu.memory_space<hbm>>
        tpu.enqueue_dma source(%arg10 : memref<128x256xf32, #tpu.memory_space<vmem>>) target(%dma_start3A_67 : memref<128x256xf32, #tpu.memory_space<hbm>>) target_semaphore(%run_scoped3A : memref<!tpu.dma_semaphore, #tpu.memory_space<semaphore_mem>>)
        %dma_wait3A_68 = arith.constant 0 : i32
        %dma_wait3A_69 = tpu.memref_slice %arg6[%add3A_58, %dma_wait3A_68] : memref<160000x256xf32, #tpu.memory_space<hbm>> -> memref<128x256xf32, #tpu.memory_space<hbm>>
        %dma_wait3A_70 = arith.constant 0 : i32
        %dma_wait3A_71 = tpu.memref_slice %arg6[%add3A_58, %dma_wait3A_70] : memref<160000x256xf32, #tpu.memory_space<hbm>> -> memref<128x256xf32, #tpu.memory_space<hbm>>
        tpu.wait_dma2 semaphore(%run_scoped3A : memref<!tpu.dma_semaphore, #tpu.memory_space<semaphore_mem>>) src(%arg10 : memref<128x256xf32, #tpu.memory_space<vmem>>) dst(%dma_wait3A_71 : memref<128x256xf32, #tpu.memory_space<hbm>>)
        tpu.yield
      }) : () -> ()
      %dma_wait3A_59 = tpu.memref_slice %arg9[%multiple_of3A_45] : memref<5000xi32, #tpu.memory_space<vmem>> -> memref<128xi32, #tpu.memory_space<vmem>>
      %dma_wait3A_60 = arith.constant 0 : i32
      %dma_wait3A_61 = arith.constant 0 : i32
      %dma_wait3A_62 = tpu.memref_slice %arg5[%dma_wait3A_60, %dma_wait3A_61] : memref<50000x256xf32, #tpu.memory_space<hbm>> -> memref<50000x256xf32, #tpu.memory_space<hbm>>
      tpu.wait_indirect_dma semaphore(%arg13 : memref<!tpu.dma_semaphore, #tpu.memory_space<semaphore_mem>>) src(%dma_wait3A_62 : memref<50000x256xf32, #tpu.memory_space<hbm>>) dst(%arg11 : memref<128x256xf32, #tpu.memory_space<vmem>>)
      %add3A_63 = arith.addi %multiple_of3A, %multiple_of3A_45 : i32
      "tpu.region"() ({
        %run_scoped3A = tpu.sem_alloc : memref<!tpu.dma_semaphore, #tpu.memory_space<semaphore_mem>>
        %dma_start3A_64 = arith.constant 0 : i32
        %dma_start3A_65 = tpu.memref_slice %arg7[%add3A_63, %dma_start3A_64] : memref<160000x256xf32, #tpu.memory_space<hbm>> -> memref<128x256xf32, #tpu.memory_space<hbm>>
        %dma_start3A_66 = arith.constant 0 : i32
        %dma_start3A_67 = tpu.memref_slice %arg7[%add3A_63, %dma_start3A_66] : memref<160000x256xf32, #tpu.memory_space<hbm>> -> memref<128x256xf32, #tpu.memory_space<hbm>>
        tpu.enqueue_dma source(%arg11 : memref<128x256xf32, #tpu.memory_space<vmem>>) target(%dma_start3A_67 : memref<128x256xf32, #tpu.memory_space<hbm>>) target_semaphore(%run_scoped3A : memref<!tpu.dma_semaphore, #tpu.memory_space<semaphore_mem>>)
        %dma_wait3A_68 = arith.constant 0 : i32
        %dma_wait3A_69 = tpu.memref_slice %arg7[%add3A_63, %dma_wait3A_68] : memref<160000x256xf32, #tpu.memory_space<hbm>> -> memref<128x256xf32, #tpu.memory_space<hbm>>
        %dma_wait3A_70 = arith.constant 0 : i32
        %dma_wait3A_71 = tpu.memref_slice %arg7[%add3A_63, %dma_wait3A_70] : memref<160000x256xf32, #tpu.memory_space<hbm>> -> memref<128x256xf32, #tpu.memory_space<hbm>>
        tpu.wait_dma2 semaphore(%run_scoped3A : memref<!tpu.dma_semaphore, #tpu.memory_space<semaphore_mem>>) src(%arg11 : memref<128x256xf32, #tpu.memory_space<vmem>>) dst(%dma_wait3A_71 : memref<128x256xf32, #tpu.memory_space<hbm>>)
        tpu.yield
      }) : () -> ()
    }
    %scan3A_7 = arith.constant 39 : i32
    %dma_start3A = arith.constant 0 : i32
    %dma_start3A_8 = arith.constant 0 : i32
    %dma_start3A_9 = tpu.memref_slice %arg10[%dma_start3A, %dma_start3A_8] : memref<128x256xf32, #tpu.memory_space<vmem>> -> memref<8x256xf32, #tpu.memory_space<vmem>>
    %dma_start3A_10 = arith.constant 4992 : i32
    %dma_start3A_11 = tpu.memref_slice %arg8[%dma_start3A_10] : memref<5000xi32, #tpu.memory_space<vmem>> -> memref<8xi32, #tpu.memory_space<vmem>>
    %dma_start3A_12 = arith.constant 0 : i32
    %dma_start3A_13 = arith.constant 0 : i32
    %dma_start3A_14 = tpu.memref_slice %arg4[%dma_start3A_12, %dma_start3A_13] : memref<10000x256xf32, #tpu.memory_space<hbm>> -> memref<10000x256xf32, #tpu.memory_space<hbm>>
    tpu.enqueue_indirect_dma source(%dma_start3A_14 : memref<10000x256xf32, #tpu.memory_space<hbm>>) target(%dma_start3A_9 : memref<8x256xf32, #tpu.memory_space<vmem>>) offsets(%dma_start3A_11 : memref<8xi32, #tpu.memory_space<vmem>>) semaphore(%arg12 : memref<!tpu.dma_semaphore, #tpu.memory_space<semaphore_mem>>)
    %dma_start3A_15 = arith.constant 0 : i32
    %dma_start3A_16 = arith.constant 0 : i32
    %dma_start3A_17 = tpu.memref_slice %arg11[%dma_start3A_15, %dma_start3A_16] : memref<128x256xf32, #tpu.memory_space<vmem>> -> memref<8x256xf32, #tpu.memory_space<vmem>>
    %dma_start3A_18 = arith.constant 4992 : i32
    %dma_start3A_19 = tpu.memref_slice %arg9[%dma_start3A_18] : memref<5000xi32, #tpu.memory_space<vmem>> -> memref<8xi32, #tpu.memory_space<vmem>>
    %dma_start3A_20 = arith.constant 0 : i32
    %dma_start3A_21 = arith.constant 0 : i32
    %dma_start3A_22 = tpu.memref_slice %arg5[%dma_start3A_20, %dma_start3A_21] : memref<50000x256xf32, #tpu.memory_space<hbm>> -> memref<50000x256xf32, #tpu.memory_space<hbm>>
    tpu.enqueue_indirect_dma source(%dma_start3A_22 : memref<50000x256xf32, #tpu.memory_space<hbm>>) target(%dma_start3A_17 : memref<8x256xf32, #tpu.memory_space<vmem>>) offsets(%dma_start3A_19 : memref<8xi32, #tpu.memory_space<vmem>>) semaphore(%arg13 : memref<!tpu.dma_semaphore, #tpu.memory_space<semaphore_mem>>)
    %dma_wait3A = arith.constant 0 : i32
    %dma_wait3A_23 = arith.constant 0 : i32
    %dma_wait3A_24 = tpu.memref_slice %arg10[%dma_wait3A, %dma_wait3A_23] : memref<128x256xf32, #tpu.memory_space<vmem>> -> memref<8x256xf32, #tpu.memory_space<vmem>>
    %dma_wait3A_25 = arith.constant 4992 : i32
    %dma_wait3A_26 = tpu.memref_slice %arg8[%dma_wait3A_25] : memref<5000xi32, #tpu.memory_space<vmem>> -> memref<8xi32, #tpu.memory_space<vmem>>
    %dma_wait3A_27 = arith.constant 0 : i32
    %dma_wait3A_28 = arith.constant 0 : i32
    %dma_wait3A_29 = tpu.memref_slice %arg4[%dma_wait3A_27, %dma_wait3A_28] : memref<10000x256xf32, #tpu.memory_space<hbm>> -> memref<10000x256xf32, #tpu.memory_space<hbm>>
    tpu.wait_indirect_dma semaphore(%arg12 : memref<!tpu.dma_semaphore, #tpu.memory_space<semaphore_mem>>) src(%dma_wait3A_29 : memref<10000x256xf32, #tpu.memory_space<hbm>>) dst(%dma_wait3A_24 : memref<8x256xf32, #tpu.memory_space<vmem>>)
    %add3A_30 = arith.constant 4992 : i32
    %add3A_31 = arith.addi %multiple_of3A, %add3A_30 : i32
    "tpu.region"() ({
      %run_scoped3A = tpu.sem_alloc : memref<!tpu.dma_semaphore, #tpu.memory_space<semaphore_mem>>
      %dma_start3A_42 = arith.constant 0 : i32
      %dma_start3A_43 = arith.constant 0 : i32
      %dma_start3A_44 = tpu.memref_slice %arg10[%dma_start3A_42, %dma_start3A_43] : memref<128x256xf32, #tpu.memory_space<vmem>> -> memref<8x256xf32, #tpu.memory_space<vmem>>
      %dma_start3A_45 = arith.constant 0 : i32
      %dma_start3A_46 = tpu.memref_slice %arg6[%add3A_31, %dma_start3A_45] : memref<160000x256xf32, #tpu.memory_space<hbm>> -> memref<8x256xf32, #tpu.memory_space<hbm>>
      %dma_start3A_47 = arith.constant 0 : i32
      %dma_start3A_48 = tpu.memref_slice %arg6[%add3A_31, %dma_start3A_47] : memref<160000x256xf32, #tpu.memory_space<hbm>> -> memref<8x256xf32, #tpu.memory_space<hbm>>
      %dma_start3A_49 = arith.constant 0 : i32
      %dma_start3A_50 = arith.constant 0 : i32
      %dma_start3A_51 = tpu.memref_slice %arg10[%dma_start3A_49, %dma_start3A_50] : memref<128x256xf32, #tpu.memory_space<vmem>> -> memref<8x256xf32, #tpu.memory_space<vmem>>
      tpu.enqueue_dma source(%dma_start3A_51 : memref<8x256xf32, #tpu.memory_space<vmem>>) target(%dma_start3A_48 : memref<8x256xf32, #tpu.memory_space<hbm>>) target_semaphore(%run_scoped3A : memref<!tpu.dma_semaphore, #tpu.memory_space<semaphore_mem>>)
      %dma_wait3A_52 = arith.constant 0 : i32
      %dma_wait3A_53 = arith.constant 0 : i32
      %dma_wait3A_54 = tpu.memref_slice %arg10[%dma_wait3A_52, %dma_wait3A_53] : memref<128x256xf32, #tpu.memory_space<vmem>> -> memref<8x256xf32, #tpu.memory_space<vmem>>
      %dma_wait3A_55 = arith.constant 0 : i32
      %dma_wait3A_56 = tpu.memref_slice %arg6[%add3A_31, %dma_wait3A_55] : memref<160000x256xf32, #tpu.memory_space<hbm>> -> memref<8x256xf32, #tpu.memory_space<hbm>>
      %dma_wait3A_57 = arith.constant 0 : i32
      %dma_wait3A_58 = tpu.memref_slice %arg6[%add3A_31, %dma_wait3A_57] : memref<160000x256xf32, #tpu.memory_space<hbm>> -> memref<8x256xf32, #tpu.memory_space<hbm>>
      %dma_wait3A_59 = arith.constant 0 : i32
      %dma_wait3A_60 = arith.constant 0 : i32
      %dma_wait3A_61 = tpu.memref_slice %arg10[%dma_wait3A_59, %dma_wait3A_60] : memref<128x256xf32, #tpu.memory_space<vmem>> -> memref<8x256xf32, #tpu.memory_space<vmem>>
      tpu.wait_dma2 semaphore(%run_scoped3A : memref<!tpu.dma_semaphore, #tpu.memory_space<semaphore_mem>>) src(%dma_wait3A_61 : memref<8x256xf32, #tpu.memory_space<vmem>>) dst(%dma_wait3A_58 : memref<8x256xf32, #tpu.memory_space<hbm>>)
      tpu.yield
    }) : () -> ()
    %dma_wait3A_32 = arith.constant 0 : i32
    %dma_wait3A_33 = arith.constant 0 : i32
    %dma_wait3A_34 = tpu.memref_slice %arg11[%dma_wait3A_32, %dma_wait3A_33] : memref<128x256xf32, #tpu.memory_space<vmem>> -> memref<8x256xf32, #tpu.memory_space<vmem>>
    %dma_wait3A_35 = arith.constant 4992 : i32
    %dma_wait3A_36 = tpu.memref_slice %arg9[%dma_wait3A_35] : memref<5000xi32, #tpu.memory_space<vmem>> -> memref<8xi32, #tpu.memory_space<vmem>>
    %dma_wait3A_37 = arith.constant 0 : i32
    %dma_wait3A_38 = arith.constant 0 : i32
    %dma_wait3A_39 = tpu.memref_slice %arg5[%dma_wait3A_37, %dma_wait3A_38] : memref<50000x256xf32, #tpu.memory_space<hbm>> -> memref<50000x256xf32, #tpu.memory_space<hbm>>
    tpu.wait_indirect_dma semaphore(%arg13 : memref<!tpu.dma_semaphore, #tpu.memory_space<semaphore_mem>>) src(%dma_wait3A_39 : memref<50000x256xf32, #tpu.memory_space<hbm>>) dst(%dma_wait3A_34 : memref<8x256xf32, #tpu.memory_space<vmem>>)
    %add3A_40 = arith.constant 4992 : i32
    %add3A_41 = arith.addi %multiple_of3A, %add3A_40 : i32
    "tpu.region"() ({
      %run_scoped3A = tpu.sem_alloc : memref<!tpu.dma_semaphore, #tpu.memory_space<semaphore_mem>>
      %dma_start3A_42 = arith.constant 0 : i32
      %dma_start3A_43 = arith.constant 0 : i32
      %dma_start3A_44 = tpu.memref_slice %arg11[%dma_start3A_42, %dma_start3A_43] : memref<128x256xf32, #tpu.memory_space<vmem>> -> memref<8x256xf32, #tpu.memory_space<vmem>>
      %dma_start3A_45 = arith.constant 0 : i32
      %dma_start3A_46 = tpu.memref_slice %arg7[%add3A_41, %dma_start3A_45] : memref<160000x256xf32, #tpu.memory_space<hbm>> -> memref<8x256xf32, #tpu.memory_space<hbm>>
      %dma_start3A_47 = arith.constant 0 : i32
      %dma_start3A_48 = tpu.memref_slice %arg7[%add3A_41, %dma_start3A_47] : memref<160000x256xf32, #tpu.memory_space<hbm>> -> memref<8x256xf32, #tpu.memory_space<hbm>>
      %dma_start3A_49 = arith.constant 0 : i32
      %dma_start3A_50 = arith.constant 0 : i32
      %dma_start3A_51 = tpu.memref_slice %arg11[%dma_start3A_49, %dma_start3A_50] : memref<128x256xf32, #tpu.memory_space<vmem>> -> memref<8x256xf32, #tpu.memory_space<vmem>>
      tpu.enqueue_dma source(%dma_start3A_51 : memref<8x256xf32, #tpu.memory_space<vmem>>) target(%dma_start3A_48 : memref<8x256xf32, #tpu.memory_space<hbm>>) target_semaphore(%run_scoped3A : memref<!tpu.dma_semaphore, #tpu.memory_space<semaphore_mem>>)
      %dma_wait3A_52 = arith.constant 0 : i32
      %dma_wait3A_53 = arith.constant 0 : i32
      %dma_wait3A_54 = tpu.memref_slice %arg11[%dma_wait3A_52, %dma_wait3A_53] : memref<128x256xf32, #tpu.memory_space<vmem>> -> memref<8x256xf32, #tpu.memory_space<vmem>>
      %dma_wait3A_55 = arith.constant 0 : i32
      %dma_wait3A_56 = tpu.memref_slice %arg7[%add3A_41, %dma_wait3A_55] : memref<160000x256xf32, #tpu.memory_space<hbm>> -> memref<8x256xf32, #tpu.memory_space<hbm>>
      %dma_wait3A_57 = arith.constant 0 : i32
      %dma_wait3A_58 = tpu.memref_slice %arg7[%add3A_41, %dma_wait3A_57] : memref<160000x256xf32, #tpu.memory_space<hbm>> -> memref<8x256xf32, #tpu.memory_space<hbm>>
      %dma_wait3A_59 = arith.constant 0 : i32
      %dma_wait3A_60 = arith.constant 0 : i32
      %dma_wait3A_61 = tpu.memref_slice %arg11[%dma_wait3A_59, %dma_wait3A_60] : memref<128x256xf32, #tpu.memory_space<vmem>> -> memref<8x256xf32, #tpu.memory_space<vmem>>
      tpu.wait_dma2 semaphore(%run_scoped3A : memref<!tpu.dma_semaphore, #tpu.memory_space<semaphore_mem>>) src(%dma_wait3A_61 : memref<8x256xf32, #tpu.memory_space<vmem>>) dst(%dma_wait3A_58 : memref<8x256xf32, #tpu.memory_space<hbm>>)
      tpu.yield
    }) : () -> ()
    return
  }
}

module attributes {stable_mosaic.version = 14 : i64} {
  func.func @_matmul_body(%arg0: i32, %arg1: memref<1000x256xf32, #tpu.memory_space<vmem>>, %arg2: memref<256x256xf32, #tpu.memory_space<vmem>>, %arg3: memref<1000x256xf32, #tpu.memory_space<vmem>>) attributes {dimension_semantics = [#tpu.dimension_semantics<arbitrary>], iteration_bounds = array<i64: 10>, scalar_prefetch = 0 : i64, scratch_operands = 0 : i64, tpu.core_type = #tpu.core_type<tc>, window_params = [{transform_indices = @transform_0, window_bounds = array<i64: 1000, 256>}, {pipeline_mode = #tpu.pipeline_mode<synchronous>, transform_indices = @transform_1, window_bounds = array<i64: 256, 256>}, {transform_indices = @transform_2, window_bounds = array<i64: 1000, 256>}]} {
    %get3A = arith.constant 0 : index
    %get3A_0 = arith.constant 0 : index
    %get3A_1 = vector.load %arg1[%get3A, %get3A_0] : memref<1000x256xf32, #tpu.memory_space<vmem>>, vector<1000x256xf32>
    %get3A_2 = arith.constant 0 : index
    %get3A_3 = arith.constant 0 : index
    %get3A_4 = vector.load %arg2[%get3A_2, %get3A_3] : memref<256x256xf32, #tpu.memory_space<vmem>>, vector<256x256xf32>
    %dot_general3A = arith.constant dense<0.000000e+00> : vector<1000x256xf32>
    %dot_general3A_5 = tpu.matmul %get3A_1, %get3A_4, %dot_general3A {dimension_numbers = #tpu.dot_dimension_numbers<[1], [0], [0], [1], [0, 0, 1, 1], [], []>, transpose_lhs_hint = false} : vector<1000x256xf32>, vector<256x256xf32>, vector<1000x256xf32> -> vector<1000x256xf32>
    %swap3A = arith.constant 0 : index
    %swap3A_6 = arith.constant 0 : index
    %swap3A_7 = vector.load %arg3[%swap3A, %swap3A_6] : memref<1000x256xf32, #tpu.memory_space<vmem>>, vector<1000x256xf32>
    tpu.vector_store %arg3[%swap3A, %swap3A_6], %dot_general3A_5 {strides = array<i32>} : memref<1000x256xf32, #tpu.memory_space<vmem>>, vector<1000x256xf32>,
    return
  }
  func.func @transform_0(%arg0: i32) -> (i32, i32) {
    %c0_i32 = arith.constant 0 : i32
    %c0_i32_0 = arith.constant 0 : i32
    return %arg0, %c0_i32 : i32, i32
  }
  func.func @transform_1(%arg0: i32) -> (i32, i32) {
    %c0_i32 = arith.constant 0 : i32
    %c0_i32_0 = arith.constant 0 : i32
    %c0_i32_1 = arith.constant 0 : i32
    return %c0_i32, %c0_i32_0 : i32, i32
  }
  func.func @transform_2(%arg0: i32) -> (i32, i32) {
    %c0_i32 = arith.constant 0 : i32
    %c0_i32_0 = arith.constant 0 : i32
    return %arg0, %c0_i32 : i32, i32
  }
}

module attributes {stable_mosaic.version = 14 : i64} {
  func.func @_edge_mlp_body(%arg0: i32, %arg1: memref<640x256xf32, #tpu.memory_space<vmem>>, %arg2: memref<640x256xf32, #tpu.memory_space<vmem>>, %arg3: memref<640x256xf32, #tpu.memory_space<vmem>>, %arg4: memref<256x256xf32, #tpu.memory_space<vmem>>, %arg5: memref<1x256xf32, #tpu.memory_space<vmem>>, %arg6: memref<256x256xf32, #tpu.memory_space<vmem>>, %arg7: memref<1x256xf32, #tpu.memory_space<vmem>>, %arg8: memref<1x256xf32, #tpu.memory_space<vmem>>, %arg9: memref<1x256xf32, #tpu.memory_space<vmem>>, %arg10: memref<256x640xf32, #tpu.memory_space<vmem>>) attributes {dimension_semantics = [#tpu.dimension_semantics<arbitrary>], iteration_bounds = array<i64: 250>, scalar_prefetch = 0 : i64, scratch_operands = 0 : i64, tpu.core_type = #tpu.core_type<tc>, window_params = [{transform_indices = @transform_0, window_bounds = array<i64: 640, 256>}, {transform_indices = @transform_1, window_bounds = array<i64: 640, 256>}, {transform_indices = @transform_2, window_bounds = array<i64: 640, 256>}, {pipeline_mode = #tpu.pipeline_mode<synchronous>, transform_indices = @transform_3, window_bounds = array<i64: 256, 256>}, {pipeline_mode = #tpu.pipeline_mode<synchronous>, transform_indices = @transform_4, window_bounds = array<i64: 1, 256>}, {pipeline_mode = #tpu.pipeline_mode<synchronous>, transform_indices = @transform_5, window_bounds = array<i64: 256, 256>}, {pipeline_mode = #tpu.pipeline_mode<synchronous>, transform_indices = @transform_6, window_bounds = array<i64: 1, 256>}, {pipeline_mode = #tpu.pipeline_mode<synchronous>, transform_indices = @transform_7, window_bounds = array<i64: 1, 256>}, {pipeline_mode = #tpu.pipeline_mode<synchronous>, transform_indices = @transform_8, window_bounds = array<i64: 1, 256>}, {transform_indices = @transform_9, window_bounds = array<i64: 256, 640>}]} {
    %get3A = arith.constant 0 : index
    %get3A_0 = arith.constant 0 : index
    %get3A_1 = vector.load %arg1[%get3A, %get3A_0] : memref<640x256xf32, #tpu.memory_space<vmem>>, vector<640x256xf32>
    %get3A_2 = arith.constant 0 : index
    %get3A_3 = arith.constant 0 : index
    %get3A_4 = vector.load %arg4[%get3A_2, %get3A_3] : memref<256x256xf32, #tpu.memory_space<vmem>>, vector<256x256xf32>
    %dot_general3A = arith.constant dense<0.000000e+00> : vector<640x256xf32>
    %dot_general3A_5 = tpu.matmul %get3A_1, %get3A_4, %dot_general3A {dimension_numbers = #tpu.dot_dimension_numbers<[1], [0], [0], [1], [0, 0, 1, 1], [], []>, transpose_lhs_hint = false} : vector<640x256xf32>, vector<256x256xf32>, vector<640x256xf32> -> vector<640x256xf32>
    %get3A_6 = arith.constant 0 : index
    %get3A_7 = arith.constant 0 : index
    %get3A_8 = vector.load %arg2[%get3A_6, %get3A_7] : memref<640x256xf32, #tpu.memory_space<vmem>>, vector<640x256xf32>
    %add3A = arith.addf %dot_general3A_5, %get3A_8 : vector<640x256xf32>
    %get3A_9 = arith.constant 0 : index
    %get3A_10 = arith.constant 0 : index
    %get3A_11 = vector.load %arg3[%get3A_9, %get3A_10] : memref<640x256xf32, #tpu.memory_space<vmem>>, vector<640x256xf32>
    %add3A_12 = arith.addf %add3A, %get3A_11 : vector<640x256xf32>
    %get3A_13 = arith.constant 0 : index
    %get3A_14 = arith.constant 0 : index
    %get3A_15 = vector.load %arg5[%get3A_13, %get3A_14] : memref<1x256xf32, #tpu.memory_space<vmem>>, vector<1x256xf32>
    %add3A_16 = vector.broadcast %get3A_15 : vector<1x256xf32> to vector<640x256xf32>
    %add3A_17 = arith.addf %add3A_12, %add3A_16 : vector<640x256xf32>
    %logistic3A = arith.negf %add3A_17 : vector<640x256xf32>
    %logistic3A_18 = math.exp %logistic3A : vector<640x256xf32>
    %logistic3A_19 = arith.constant 1.000000e+00 : f32
    %logistic3A_20 = vector.broadcast %logistic3A_19 : f32 to vector<640x256xf32>
    %logistic3A_21 = arith.addf %logistic3A_20, %logistic3A_18 : vector<640x256xf32>
    %logistic3A_22 = arith.divf %logistic3A_20, %logistic3A_21 : vector<640x256xf32>
    %mul3A = arith.mulf %add3A_17, %logistic3A_22 : vector<640x256xf32>
    %get3A_23 = arith.constant 0 : index
    %get3A_24 = arith.constant 0 : index
    %get3A_25 = vector.load %arg6[%get3A_23, %get3A_24] : memref<256x256xf32, #tpu.memory_space<vmem>>, vector<256x256xf32>
    %dot_general3A_26 = arith.constant dense<0.000000e+00> : vector<640x256xf32>
    %dot_general3A_27 = tpu.matmul %mul3A, %get3A_25, %dot_general3A_26 {dimension_numbers = #tpu.dot_dimension_numbers<[1], [0], [0], [1], [0, 0, 1, 1], [], []>, transpose_lhs_hint = false} : vector<640x256xf32>, vector<256x256xf32>, vector<640x256xf32> -> vector<640x256xf32>
    %get3A_28 = arith.constant 0 : index
    %get3A_29 = arith.constant 0 : index
    %get3A_30 = vector.load %arg7[%get3A_28, %get3A_29] : memref<1x256xf32, #tpu.memory_space<vmem>>, vector<1x256xf32>
    %add3A_31 = vector.broadcast %get3A_30 : vector<1x256xf32> to vector<640x256xf32>
    %add3A_32 = arith.addf %dot_general3A_27, %add3A_31 : vector<640x256xf32>
    %get3A_33 = arith.constant 0 : index
    %get3A_34 = arith.constant 0 : index
    %get3A_35 = vector.load %arg8[%get3A_33, %get3A_34] : memref<1x256xf32, #tpu.memory_space<vmem>>, vector<1x256xf32>
    %get3A_36 = arith.constant 0 : index
    %get3A_37 = arith.constant 0 : index
    %get3A_38 = vector.load %arg9[%get3A_36, %get3A_37] : memref<1x256xf32, #tpu.memory_space<vmem>>, vector<1x256xf32>
    %reduce_sum3A = arith.constant dense<0.000000e+00> : vector<640xf32>
    %reduce_sum3A_39 = vector.multi_reduction <add>, %add3A_32, %reduce_sum3A [1] : vector<640x256xf32> to vector<640xf32>
    %broadcast_in_dim3A = vector.shape_cast %reduce_sum3A_39 : vector<640xf32> to vector<640x1xf32>
    %div3A = arith.constant 2.560000e+02 : f32
    %div3A_40 = vector.broadcast %div3A : f32 to vector<640x1xf32>
    %div3A_41 = arith.divf %broadcast_in_dim3A, %div3A_40 : vector<640x1xf32>
    %sub3A = vector.broadcast %div3A_41 : vector<640x1xf32> to vector<640x256xf32>
    %sub3A_42 = arith.subf %add3A_32, %sub3A : vector<640x256xf32>
    %sub3A_43 = vector.broadcast %div3A_41 : vector<640x1xf32> to vector<640x256xf32>
    %sub3A_44 = arith.subf %add3A_32, %sub3A_43 : vector<640x256xf32>
    %mul3A_45 = arith.mulf %sub3A_42, %sub3A_44 : vector<640x256xf32>
    %reduce_sum3A_46 = arith.constant dense<0.000000e+00> : vector<640xf32>
    %reduce_sum3A_47 = vector.multi_reduction <add>, %mul3A_45, %reduce_sum3A_46 [1] : vector<640x256xf32> to vector<640xf32>
    %broadcast_in_dim3A_48 = vector.shape_cast %reduce_sum3A_47 : vector<640xf32> to vector<640x1xf32>
    %div3A_49 = arith.constant 2.560000e+02 : f32
    %div3A_50 = vector.broadcast %div3A_49 : f32 to vector<640x1xf32>
    %div3A_51 = arith.divf %broadcast_in_dim3A_48, %div3A_50 : vector<640x1xf32>
    %sub3A_52 = vector.broadcast %div3A_41 : vector<640x1xf32> to vector<640x256xf32>
    %sub3A_53 = arith.subf %add3A_32, %sub3A_52 : vector<640x256xf32>
    %add3A_54 = arith.constant 9.99999974E-6 : f32
    %add3A_55 = vector.broadcast %add3A_54 : f32 to vector<640x1xf32>
    %add3A_56 = arith.addf %div3A_51, %add3A_55 : vector<640x1xf32>
    %rsqrt3A = math.rsqrt %add3A_56 : vector<640x1xf32>
    %mul3A_57 = vector.broadcast %rsqrt3A : vector<640x1xf32> to vector<640x256xf32>
    %mul3A_58 = arith.mulf %sub3A_53, %mul3A_57 : vector<640x256xf32>
    %mul3A_59 = vector.broadcast %get3A_35 : vector<1x256xf32> to vector<640x256xf32>
    %mul3A_60 = arith.mulf %mul3A_58, %mul3A_59 : vector<640x256xf32>
    %add3A_61 = vector.broadcast %get3A_38 : vector<1x256xf32> to vector<640x256xf32>
    %add3A_62 = arith.addf %mul3A_60, %add3A_61 : vector<640x256xf32>
    %transpose3A = tpu.transpose %add3A_62, [1, 0] : vector<640x256xf32> -> vector<256x640xf32>
    %swap3A = arith.constant 0 : index
    %swap3A_63 = arith.constant 0 : index
    %swap3A_64 = vector.load %arg10[%swap3A, %swap3A_63] : memref<256x640xf32, #tpu.memory_space<vmem>>, vector<256x640xf32>
    tpu.vector_store %arg10[%swap3A, %swap3A_63], %transpose3A {strides = array<i32>} : memref<256x640xf32, #tpu.memory_space<vmem>>, vector<256x640xf32>,
    return
  }
  func.func @transform_0(%arg0: i32) -> (i32, i32) {
    %c0_i32 = arith.constant 0 : i32
    %c0_i32_0 = arith.constant 0 : i32
    return %arg0, %c0_i32 : i32, i32
  }
  func.func @transform_1(%arg0: i32) -> (i32, i32) {
    %c0_i32 = arith.constant 0 : i32
    %c0_i32_0 = arith.constant 0 : i32
    return %arg0, %c0_i32 : i32, i32
  }
  func.func @transform_2(%arg0: i32) -> (i32, i32) {
    %c0_i32 = arith.constant 0 : i32
    %c0_i32_0 = arith.constant 0 : i32
    return %arg0, %c0_i32 : i32, i32
  }
  func.func @transform_3(%arg0: i32) -> (i32, i32) {
    %c0_i32 = arith.constant 0 : i32
    %c0_i32_0 = arith.constant 0 : i32
    %c0_i32_1 = arith.constant 0 : i32
    return %c0_i32, %c0_i32_0 : i32, i32
  }
  func.func @transform_4(%arg0: i32) -> (i32, i32) {
    %c0_i32 = arith.constant 0 : i32
    %c0_i32_0 = arith.constant 0 : i32
    %c0_i32_1 = arith.constant 0 : i32
    return %c0_i32, %c0_i32_0 : i32, i32
  }
  func.func @transform_5(%arg0: i32) -> (i32, i32) {
    %c0_i32 = arith.constant 0 : i32
    %c0_i32_0 = arith.constant 0 : i32
    %c0_i32_1 = arith.constant 0 : i32
    return %c0_i32, %c0_i32_0 : i32, i32
  }
  func.func @transform_6(%arg0: i32) -> (i32, i32) {
    %c0_i32 = arith.constant 0 : i32
    %c0_i32_0 = arith.constant 0 : i32
    %c0_i32_1 = arith.constant 0 : i32
    return %c0_i32, %c0_i32_0 : i32, i32
  }
  func.func @transform_7(%arg0: i32) -> (i32, i32) {
    %c0_i32 = arith.constant 0 : i32
    %c0_i32_0 = arith.constant 0 : i32
    %c0_i32_1 = arith.constant 0 : i32
    return %c0_i32, %c0_i32_0 : i32, i32
  }
  func.func @transform_8(%arg0: i32) -> (i32, i32) {
    %c0_i32 = arith.constant 0 : i32
    %c0_i32_0 = arith.constant 0 : i32
    %c0_i32_1 = arith.constant 0 : i32
    return %c0_i32, %c0_i32_0 : i32, i32
  }
  func.func @transform_9(%arg0: i32) -> (i32, i32) {
    %c0_i32 = arith.constant 0 : i32
    %c0_i32_0 = arith.constant 0 : i32
    return %c0_i32, %arg0 : i32, i32
  }
}

module attributes {stable_mosaic.version = 14 : i64} {
  func.func @_matmul_body(%arg0: i32, %arg1: memref<1000x256xf32, #tpu.memory_space<vmem>>, %arg2: memref<256x256xf32, #tpu.memory_space<vmem>>, %arg3: memref<1000x256xf32, #tpu.memory_space<vmem>>) attributes {dimension_semantics = [#tpu.dimension_semantics<arbitrary>], iteration_bounds = array<i64: 50>, scalar_prefetch = 0 : i64, scratch_operands = 0 : i64, tpu.core_type = #tpu.core_type<tc>, window_params = [{transform_indices = @transform_0, window_bounds = array<i64: 1000, 256>}, {pipeline_mode = #tpu.pipeline_mode<synchronous>, transform_indices = @transform_1, window_bounds = array<i64: 256, 256>}, {transform_indices = @transform_2, window_bounds = array<i64: 1000, 256>}]} {
    %get3A = arith.constant 0 : index
    %get3A_0 = arith.constant 0 : index
    %get3A_1 = vector.load %arg1[%get3A, %get3A_0] : memref<1000x256xf32, #tpu.memory_space<vmem>>, vector<1000x256xf32>
    %get3A_2 = arith.constant 0 : index
    %get3A_3 = arith.constant 0 : index
    %get3A_4 = vector.load %arg2[%get3A_2, %get3A_3] : memref<256x256xf32, #tpu.memory_space<vmem>>, vector<256x256xf32>
    %dot_general3A = arith.constant dense<0.000000e+00> : vector<1000x256xf32>
    %dot_general3A_5 = tpu.matmul %get3A_1, %get3A_4, %dot_general3A {dimension_numbers = #tpu.dot_dimension_numbers<[1], [0], [0], [1], [0, 0, 1, 1], [], []>, transpose_lhs_hint = false} : vector<1000x256xf32>, vector<256x256xf32>, vector<1000x256xf32> -> vector<1000x256xf32>
    %swap3A = arith.constant 0 : index
    %swap3A_6 = arith.constant 0 : index
    %swap3A_7 = vector.load %arg3[%swap3A, %swap3A_6] : memref<1000x256xf32, #tpu.memory_space<vmem>>, vector<1000x256xf32>
    tpu.vector_store %arg3[%swap3A, %swap3A_6], %dot_general3A_5 {strides = array<i32>} : memref<1000x256xf32, #tpu.memory_space<vmem>>, vector<1000x256xf32>,
    return
  }
  func.func @transform_0(%arg0: i32) -> (i32, i32) {
    %c0_i32 = arith.constant 0 : i32
    %c0_i32_0 = arith.constant 0 : i32
    return %arg0, %c0_i32 : i32, i32
  }
  func.func @transform_1(%arg0: i32) -> (i32, i32) {
    %c0_i32 = arith.constant 0 : i32
    %c0_i32_0 = arith.constant 0 : i32
    %c0_i32_1 = arith.constant 0 : i32
    return %c0_i32, %c0_i32_0 : i32, i32
  }
  func.func @transform_2(%arg0: i32) -> (i32, i32) {
    %c0_i32 = arith.constant 0 : i32
    %c0_i32_0 = arith.constant 0 : i32
    return %arg0, %c0_i32 : i32, i32
  }
}

module attributes {stable_mosaic.version = 14 : i64} {
  func.func @_node_mlp_body(%arg0: i32, %arg1: memref<256x1024xf32, #tpu.memory_space<vmem>>, %arg2: memref<1024x256xf32, #tpu.memory_space<vmem>>, %arg3: memref<256x256xf32, #tpu.memory_space<vmem>>, %arg4: memref<256x256xf32, #tpu.memory_space<vmem>>, %arg5: memref<1x256xf32, #tpu.memory_space<vmem>>, %arg6: memref<256x256xf32, #tpu.memory_space<vmem>>, %arg7: memref<1x256xf32, #tpu.memory_space<vmem>>, %arg8: memref<1x256xf32, #tpu.memory_space<vmem>>, %arg9: memref<1x256xf32, #tpu.memory_space<vmem>>, %arg10: memref<1024x256xf32, #tpu.memory_space<vmem>>) attributes {dimension_semantics = [#tpu.dimension_semantics<arbitrary>], iteration_bounds = array<i64: 49>, scalar_prefetch = 0 : i64, scratch_operands = 0 : i64, tpu.core_type = #tpu.core_type<tc>, window_params = [{transform_indices = @transform_0, window_bounds = array<i64: 256, 1024>}, {transform_indices = @transform_1, window_bounds = array<i64: 1024, 256>}, {pipeline_mode = #tpu.pipeline_mode<synchronous>, transform_indices = @transform_2, window_bounds = array<i64: 256, 256>}, {pipeline_mode = #tpu.pipeline_mode<synchronous>, transform_indices = @transform_3, window_bounds = array<i64: 256, 256>}, {pipeline_mode = #tpu.pipeline_mode<synchronous>, transform_indices = @transform_4, window_bounds = array<i64: 1, 256>}, {pipeline_mode = #tpu.pipeline_mode<synchronous>, transform_indices = @transform_5, window_bounds = array<i64: 256, 256>}, {pipeline_mode = #tpu.pipeline_mode<synchronous>, transform_indices = @transform_6, window_bounds = array<i64: 1, 256>}, {pipeline_mode = #tpu.pipeline_mode<synchronous>, transform_indices = @transform_7, window_bounds = array<i64: 1, 256>}, {pipeline_mode = #tpu.pipeline_mode<synchronous>, transform_indices = @transform_8, window_bounds = array<i64: 1, 256>}, {transform_indices = @transform_9, window_bounds = array<i64: 1024, 256>}]} {
    %get3A = arith.constant 0 : index
    %get3A_0 = arith.constant 0 : index
    %get3A_1 = vector.load %arg1[%get3A, %get3A_0] : memref<256x1024xf32, #tpu.memory_space<vmem>>, vector<256x1024xf32>
    %get3A_2 = arith.constant 0 : index
    %get3A_3 = arith.constant 0 : index
    %get3A_4 = vector.load %arg3[%get3A_2, %get3A_3] : memref<256x256xf32, #tpu.memory_space<vmem>>, vector<256x256xf32>
    %dot_general3A = arith.constant dense<0.000000e+00> : vector<1024x256xf32>
    %dot_general3A_5 = tpu.matmul %get3A_1, %get3A_4, %dot_general3A {dimension_numbers = #tpu.dot_dimension_numbers<[0], [0], [1], [1], [0, 1, 1, 1], [], []>, transpose_lhs_hint = false} : vector<256x1024xf32>, vector<256x256xf32>, vector<1024x256xf32> -> vector<1024x256xf32>
    %get3A_6 = arith.constant 0 : index
    %get3A_7 = arith.constant 0 : index
    %get3A_8 = vector.load %arg2[%get3A_6, %get3A_7] : memref<1024x256xf32, #tpu.memory_space<vmem>>, vector<1024x256xf32>
    %get3A_9 = arith.constant 0 : index
    %get3A_10 = arith.constant 0 : index
    %get3A_11 = vector.load %arg4[%get3A_9, %get3A_10] : memref<256x256xf32, #tpu.memory_space<vmem>>, vector<256x256xf32>
    %dot_general3A_12 = arith.constant dense<0.000000e+00> : vector<1024x256xf32>
    %dot_general3A_13 = tpu.matmul %get3A_8, %get3A_11, %dot_general3A_12 {dimension_numbers = #tpu.dot_dimension_numbers<[1], [0], [0], [1], [0, 0, 1, 1], [], []>, transpose_lhs_hint = false} : vector<1024x256xf32>, vector<256x256xf32>, vector<1024x256xf32> -> vector<1024x256xf32>
    %add3A = arith.addf %dot_general3A_5, %dot_general3A_13 : vector<1024x256xf32>
    %get3A_14 = arith.constant 0 : index
    %get3A_15 = arith.constant 0 : index
    %get3A_16 = vector.load %arg5[%get3A_14, %get3A_15] : memref<1x256xf32, #tpu.memory_space<vmem>>, vector<1x256xf32>
    %add3A_17 = vector.broadcast %get3A_16 : vector<1x256xf32> to vector<1024x256xf32>
    %add3A_18 = arith.addf %add3A, %add3A_17 : vector<1024x256xf32>
    %logistic3A = arith.negf %add3A_18 : vector<1024x256xf32>
    %logistic3A_19 = math.exp %logistic3A : vector<1024x256xf32>
    %logistic3A_20 = arith.constant 1.000000e+00 : f32
    %logistic3A_21 = vector.broadcast %logistic3A_20 : f32 to vector<1024x256xf32>
    %logistic3A_22 = arith.addf %logistic3A_21, %logistic3A_19 : vector<1024x256xf32>
    %logistic3A_23 = arith.divf %logistic3A_21, %logistic3A_22 : vector<1024x256xf32>
    %mul3A = arith.mulf %add3A_18, %logistic3A_23 : vector<1024x256xf32>
    %get3A_24 = arith.constant 0 : index
    %get3A_25 = arith.constant 0 : index
    %get3A_26 = vector.load %arg6[%get3A_24, %get3A_25] : memref<256x256xf32, #tpu.memory_space<vmem>>, vector<256x256xf32>
    %dot_general3A_27 = arith.constant dense<0.000000e+00> : vector<1024x256xf32>
    %dot_general3A_28 = tpu.matmul %mul3A, %get3A_26, %dot_general3A_27 {dimension_numbers = #tpu.dot_dimension_numbers<[1], [0], [0], [1], [0, 0, 1, 1], [], []>, transpose_lhs_hint = false} : vector<1024x256xf32>, vector<256x256xf32>, vector<1024x256xf32> -> vector<1024x256xf32>
    %get3A_29 = arith.constant 0 : index
    %get3A_30 = arith.constant 0 : index
    %get3A_31 = vector.load %arg7[%get3A_29, %get3A_30] : memref<1x256xf32, #tpu.memory_space<vmem>>, vector<1x256xf32>
    %add3A_32 = vector.broadcast %get3A_31 : vector<1x256xf32> to vector<1024x256xf32>
    %add3A_33 = arith.addf %dot_general3A_28, %add3A_32 : vector<1024x256xf32>
    %get3A_34 = arith.constant 0 : index
    %get3A_35 = arith.constant 0 : index
    %get3A_36 = vector.load %arg8[%get3A_34, %get3A_35] : memref<1x256xf32, #tpu.memory_space<vmem>>, vector<1x256xf32>
    %get3A_37 = arith.constant 0 : index
    %get3A_38 = arith.constant 0 : index
    %get3A_39 = vector.load %arg9[%get3A_37, %get3A_38] : memref<1x256xf32, #tpu.memory_space<vmem>>, vector<1x256xf32>
    %reduce_sum3A = arith.constant dense<0.000000e+00> : vector<1024xf32>
    %reduce_sum3A_40 = vector.multi_reduction <add>, %add3A_33, %reduce_sum3A [1] : vector<1024x256xf32> to vector<1024xf32>
    %broadcast_in_dim3A = vector.shape_cast %reduce_sum3A_40 : vector<1024xf32> to vector<1024x1xf32>
    %div3A = arith.constant 2.560000e+02 : f32
    %div3A_41 = vector.broadcast %div3A : f32 to vector<1024x1xf32>
    %div3A_42 = arith.divf %broadcast_in_dim3A, %div3A_41 : vector<1024x1xf32>
    %sub3A = vector.broadcast %div3A_42 : vector<1024x1xf32> to vector<1024x256xf32>
    %sub3A_43 = arith.subf %add3A_33, %sub3A : vector<1024x256xf32>
    %sub3A_44 = vector.broadcast %div3A_42 : vector<1024x1xf32> to vector<1024x256xf32>
    %sub3A_45 = arith.subf %add3A_33, %sub3A_44 : vector<1024x256xf32>
    %mul3A_46 = arith.mulf %sub3A_43, %sub3A_45 : vector<1024x256xf32>
    %reduce_sum3A_47 = arith.constant dense<0.000000e+00> : vector<1024xf32>
    %reduce_sum3A_48 = vector.multi_reduction <add>, %mul3A_46, %reduce_sum3A_47 [1] : vector<1024x256xf32> to vector<1024xf32>
    %broadcast_in_dim3A_49 = vector.shape_cast %reduce_sum3A_48 : vector<1024xf32> to vector<1024x1xf32>
    %div3A_50 = arith.constant 2.560000e+02 : f32
    %div3A_51 = vector.broadcast %div3A_50 : f32 to vector<1024x1xf32>
    %div3A_52 = arith.divf %broadcast_in_dim3A_49, %div3A_51 : vector<1024x1xf32>
    %sub3A_53 = vector.broadcast %div3A_42 : vector<1024x1xf32> to vector<1024x256xf32>
    %sub3A_54 = arith.subf %add3A_33, %sub3A_53 : vector<1024x256xf32>
    %add3A_55 = arith.constant 9.99999974E-6 : f32
    %add3A_56 = vector.broadcast %add3A_55 : f32 to vector<1024x1xf32>
    %add3A_57 = arith.addf %div3A_52, %add3A_56 : vector<1024x1xf32>
    %rsqrt3A = math.rsqrt %add3A_57 : vector<1024x1xf32>
    %mul3A_58 = vector.broadcast %rsqrt3A : vector<1024x1xf32> to vector<1024x256xf32>
    %mul3A_59 = arith.mulf %sub3A_54, %mul3A_58 : vector<1024x256xf32>
    %mul3A_60 = vector.broadcast %get3A_36 : vector<1x256xf32> to vector<1024x256xf32>
    %mul3A_61 = arith.mulf %mul3A_59, %mul3A_60 : vector<1024x256xf32>
    %add3A_62 = vector.broadcast %get3A_39 : vector<1x256xf32> to vector<1024x256xf32>
    %add3A_63 = arith.addf %mul3A_61, %add3A_62 : vector<1024x256xf32>
    %get3A_64 = arith.constant 0 : index
    %get3A_65 = arith.constant 0 : index
    %get3A_66 = vector.load %arg2[%get3A_64, %get3A_65] : memref<1024x256xf32, #tpu.memory_space<vmem>>, vector<1024x256xf32>
    %add3A_67 = arith.addf %add3A_63, %get3A_66 : vector<1024x256xf32>
    %swap3A = arith.constant 0 : index
    %swap3A_68 = arith.constant 0 : index
    %swap3A_69 = vector.load %arg10[%swap3A, %swap3A_68] : memref<1024x256xf32, #tpu.memory_space<vmem>>, vector<1024x256xf32>
    tpu.vector_store %arg10[%swap3A, %swap3A_68], %add3A_67 {strides = array<i32>} : memref<1024x256xf32, #tpu.memory_space<vmem>>, vector<1024x256xf32>,
    return
  }
  func.func @transform_0(%arg0: i32) -> (i32, i32) {
    %c0_i32 = arith.constant 0 : i32
    %c0_i32_0 = arith.constant 0 : i32
    return %c0_i32, %arg0 : i32, i32
  }
  func.func @transform_1(%arg0: i32) -> (i32, i32) {
    %c0_i32 = arith.constant 0 : i32
    %c0_i32_0 = arith.constant 0 : i32
    return %arg0, %c0_i32 : i32, i32
  }
  func.func @transform_2(%arg0: i32) -> (i32, i32) {
    %c0_i32 = arith.constant 0 : i32
    %c0_i32_0 = arith.constant 0 : i32
    %c0_i32_1 = arith.constant 0 : i32
    return %c0_i32, %c0_i32_0 : i32, i32
  }
  func.func @transform_3(%arg0: i32) -> (i32, i32) {
    %c0_i32 = arith.constant 0 : i32
    %c0_i32_0 = arith.constant 0 : i32
    %c0_i32_1 = arith.constant 0 : i32
    return %c0_i32, %c0_i32_0 : i32, i32
  }
  func.func @transform_4(%arg0: i32) -> (i32, i32) {
    %c0_i32 = arith.constant 0 : i32
    %c0_i32_0 = arith.constant 0 : i32
    %c0_i32_1 = arith.constant 0 : i32
    return %c0_i32, %c0_i32_0 : i32, i32
  }
  func.func @transform_5(%arg0: i32) -> (i32, i32) {
    %c0_i32 = arith.constant 0 : i32
    %c0_i32_0 = arith.constant 0 : i32
    %c0_i32_1 = arith.constant 0 : i32
    return %c0_i32, %c0_i32_0 : i32, i32
  }
  func.func @transform_6(%arg0: i32) -> (i32, i32) {
    %c0_i32 = arith.constant 0 : i32
    %c0_i32_0 = arith.constant 0 : i32
    %c0_i32_1 = arith.constant 0 : i32
    return %c0_i32, %c0_i32_0 : i32, i32
  }
  func.func @transform_7(%arg0: i32) -> (i32, i32) {
    %c0_i32 = arith.constant 0 : i32
    %c0_i32_0 = arith.constant 0 : i32
    %c0_i32_1 = arith.constant 0 : i32
    return %c0_i32, %c0_i32_0 : i32, i32
  }
  func.func @transform_8(%arg0: i32) -> (i32, i32) {
    %c0_i32 = arith.constant 0 : i32
    %c0_i32_0 = arith.constant 0 : i32
    %c0_i32_1 = arith.constant 0 : i32
    return %c0_i32, %c0_i32_0 : i32, i32
  }
  func.func @transform_9(%arg0: i32) -> (i32, i32) {
    %c0_i32 = arith.constant 0 : i32
    %c0_i32_0 = arith.constant 0 : i32
    return %arg0, %c0_i32 : i32, i32
  }
}

</mosaic_0001>

<sc_bundles>
// kernel: kernel.11.cloned.1.call-start
scs
__scs_entry_jumppad:
0x0: {  	(pc) =	sbr.rel $0x88, $3  }
0x1: {  	(tag) =	ssettag $0x0;
	lr =	simm.s32 $0x1  }
0x2: {  	[smem:$0x3F8F] =	sst lr;
	_ =	strace $0xD0000000  }
0x3: {  	_ = 	snop  }
0x4: {  	_ = 	snop  }
0x5: {  	_ = 	snop  }
0x6: {  	_ = 	snop  }
0x7: {  	_ = 	snop  }
__scs_overlays_trampoline_lowered:
0x8: {  	[smem:$0x3F9E] =	sst s0  }
0x9: {  	[smem:$0x3F9F] =	sst s1  }
0xa: {  	[smem:$0x3FA0] =	sst s2  }
0xb: {  	[smem:$0x3FA1] =	sst s3  }
0xc: {  	[smem:$0x3FA2] =	sst s4  }
0xd: {  	[smem:$0x3FA3] =	sst s5  }
0xe: {  	[smem:$0x3FA4] =	sst s6  }
0xf: {  	[smem:$0x3FA5] =	sst s7  }
0x10: {  	[smem:$0x3FA6] =	sst s8  }
0x11: {  	[smem:$0x3FA7] =	sst s9;
	s0 =	simm.s32 @!p0 $0x0  }
0x12: {  	s1 =	sld [smem:$0x3F8D];
	s0 =	simm.s32 @p0 $0x1  }
0x13: {  	[smem:$0x3FA8] =	sst s0;
	s0 =	simm.s32 @!p1 $0x0  }
0x14: {  	s2 =	sld [smem:$0x3F8C];
	s0 =	simm.s32 @p1 $0x1  }
0x15: {  	[smem:$0x3FA9] =	sst s0;
	s0 =	simm.s32 @!p2 $0x0  }
0x16: {  	s3 =	sld [smem:$0x3FDB];
	s0 =	simm.s32 @p2 $0x1  }
0x17: {  	s4 =	simm.s32 $0x1BF5;
	[smem:$0x3FAB] =	sst s0  }
0x18: {  	s0 =	sld [smem:$0x3F8E];
	_ =	swait.ge [sflag:s4], $0x0  }
0x19: {  	s7 =	sld [smem:$0x3F8F]  }
0x1a: {  	s8 =	sadd.s32 $0xFFFFE003, lr  }
0x1b: {  	s9 =	sadd.s32 $0xFFFFFEF7, lr;
	s5 =	simm.s32 $0xFFFFFFFF;
	p2 =	slt.u32 s8, $0xFFFFF086  }
0x1c: {  	p1 =	slt.u32 s9, $0xF7A;
	s5 =	simm.s32 @!p2 $0x0  }
0x1d: {  	s5 =	simm.s32 @p1 $0x1;
	p0 =	seq.s32 s7, s2  }
0x1e: {  	s7 =	smul.u32 @!p0 $0xF7A, s2;
	p2 =	seq.s32 @!p0 s5, $0x0  }
0x1f: {  	s9 =	smul.u32 $0xF7A, s1;
	s8 =	simm.s32 @!p0 $0x1BF5;
	p2 =	por !p2, p0  }
0x20: {  	[sflag:s8] =	ssyncset.s32 @!p0 $0xFFFFF086;
	s6 =	sadd.s32 @!p0 s3, s7;
	s7 =	simm.s32 @!p0 $0x108  }
0x21: {  	s3 =	sadd.s32 s3, s9;
	s6 =	sadd.s32 @!p0 $0x88, s6;
	s7 =	simm.s32 @p2 $0x1082  }
0x22: {  	[simem:s7], [sflag:s8] =	dma.local @!p0 [hbm:s6], $0xF7A  }
0x23: {  	s9 =	sor.u32 $0xD0000000, s2;
	s6 =	simm.s32 $0x108;
	_ =	swait.ge @!p0 [sflag:s8], $0x0  }
0x24: {  	s3 =	sadd.s32 $0x88, s3;
	s6 =	simm.s32 @!p1 $0x1082;
	[sflag:s4] =	ssyncset.s32 $0xFFFFF086  }
0x25: {  	[simem:s6], [sflag:s4] =	dma.local [hbm:s3], $0xF7A  }
0x26: {  	[smem:$0x3F8F] =	sst s1;
	(tag) =	ssettag s2;
	_ =	strace s9  }
0x27: {  	s1 =	sld [smem:$0x3F9F]  }
0x28: {  	s2 =	sld [smem:$0x3FA0]  }
0x29: {  	s4 =	sld [smem:$0x3FA2]  }
0x2a: {  	p0 =	seq.s32 s5, $0x0;
	s5 =	sld [smem:$0x3FA3]  }
0x2b: {  	s6 =	sld [smem:$0x3FA4]  }
0x2c: {  	s7 =	sld [smem:$0x3FA5]  }
0x2d: {  	s3 =	simm.s32 $0x108;
	s8 =	sld [smem:$0x3FA6]  }
0x2e: {  	s3 =	simm.s32 @!p0 $0x1082;
	s9 =	sld [smem:$0x3FA7]  }
0x2f: {  	lr =	sadd.s32 s0, s3;
	s0 =	sld [smem:$0x3F9E]  }
0x30: {  	s3 =	sld [smem:$0x3FA1]  }
0x31: {  	[smem:$0x3FAA] =	sst s10  }
0x32: {  	s10 =	sld [smem:$0x3FA8];
	_ =	sdelay $0x3  }
0x33: {  	p0 =	seq.s32 s10, $0x1;
	s10 =	sld [smem:$0x3FAA];
	_ =	sdelay $0x3  }
0x34: {  	[smem:$0x3FAA] =	sst s10  }
0x35: {  	s10 =	sld [smem:$0x3FA9];
	_ =	sdelay $0x3  }
0x36: {  	p1 =	seq.s32 s10, $0x1;
	s10 =	sld [smem:$0x3FAA];
	_ =	sdelay $0x3  }
0x37: {  	[smem:$0x3FAA] =	sst s10  }
0x38: {  	s10 =	sld [smem:$0x3FAB]  }
0x39: {  	_ = 	snop;
	(pc) =	sbr.ind lr, $3  }
0x3a: {  	_ = 	snop  }
0x3b: {  	_ = 	snop  }
0x3c: {  	p2 =	seq.s32 s10, $0x1;
	s10 =	sld [smem:$0x3FAA]  }
0x3d: {  	_ =	shalt  }
0x3e: {  	_ =	shalt  }
0x3f: {  	_ =	shalt  }
0x40: {  	_ =	shalt  }
0x41: {  	_ =	shalt  }
0x42: {  	_ =	shalt  }
0x43: {  	_ =	shalt  }
0x44: {  	_ =	shalt  }
0x45: {  	_ =	shalt  }
0x46: {  	_ =	shalt  }
0x47: {  	_ =	shalt  }
0x48: {  	_ =	shalt  }
0x49: {  	_ =	shalt  }
0x4a: {  	_ =	shalt  }
0x4b: {  	_ =	shalt  }
0x4c: {  	_ =	shalt  }
0x4d: {  	_ =	shalt  }
0x4e: {  	_ =	shalt  }
0x4f: {  	_ =	shalt  }
0x50: {  	_ =	shalt  }
0x51: {  	_ =	shalt  }
0x52: {  	_ =	shalt  }
0x53: {  	_ =	shalt  }
0x54: {  	_ =	shalt  }
0x55: {  	_ =	shalt  }
0x56: {  	_ =	shalt  }
0x57: {  	_ =	shalt  }
0x58: {  	_ =	shalt  }
0x59: {  	_ =	shalt  }
0x5a: {  	_ =	shalt  }
0x5b: {  	_ =	shalt  }
0x5c: {  	_ =	shalt  }
0x5d: {  	_ =	shalt  }
0x5e: {  	_ =	shalt  }
0x5f: {  	_ =	shalt  }
0x60: {  	_ =	shalt  }
0x61: {  	_ =	shalt  }
0x62: {  	_ =	shalt  }
0x63: {  	_ =	shalt  }
0x64: {  	_ =	shalt  }
0x65: {  	_ =	shalt  }
0x66: {  	_ =	shalt  }
0x67: {  	_ =	shalt  }
0x68: {  	_ =	shalt  }
0x69: {  	_ =	shalt  }
0x6a: {  	_ =	shalt  }
0x6b: {  	_ =	shalt  }
0x6c: {  	_ =	shalt  }
0x6d: {  	_ =	shalt  }
0x6e: {  	_ =	shalt  }
0x6f: {  	_ =	shalt  }
0x70: {  	_ =	shalt  }
0x71: {  	_ =	shalt  }
0x72: {  	_ =	shalt  }
0x73: {  	_ =	shalt  }
0x74: {  	_ =	shalt  }
0x75: {  	_ =	shalt  }
0x76: {  	_ =	shalt  }
0x77: {  	_ =	shalt  }
0x78: {  	_ =	shalt  }
0x79: {  	_ =	shalt  }
0x7a: {  	_ =	shalt  }
0x7b: {  	_ =	shalt  }
0x7c: {  	_ =	shalt  }
0x7d: {  	_ =	shalt  }
0x7e: {  	_ =	shalt  }
0x7f: {  	_ =	shalt  }
0x80: {  	_ =	shalt  }
0x81: {  	_ =	shalt  }
0x82: {  	_ =	shalt  }
0x83: {  	_ =	shalt  }
0x84: {  	_ =	shalt  }
0x85: {  	_ =	shalt  }
0x86: {  	_ =	shalt  }
0x87: {  	_ =	shalt  }
.Lfunc_end0:
.L_simem_size_0:
called_computation.1_lowered:
.L_overlay_start_0:
0x88: {  	s2 =	sld [smem:$0x3FD9]  }
0x89: {  	s3 =	sld [smem:$0x3FFE];
	_ =	sdelay $0x1  }
0x8a: {  	s1 =	srdreg.scid  }
0x8b: {  	s0 =	sand.u32 $0x1, s1  }
0x8c: {  	s17 =	sshll.u32 s0, $0xA;
	s2 =	sadd.s32 s3, s2  }
0x8d: {  	s2 =	sadd.s32 s2, s17  }
0x8e: {  	[smem:$0x3FB6] =	sst s2  }
0x8f: {  	_ = 	snop  }
0x90: {  	s2 =	sld [smem:$0x3FD0];
	(tm) =	ssettm $0x1  }
0x91: {  	s18 =	sld [smem:$0x3FFB];
	_ =	sdelay $0x3  }
0x92: {  	_ =	strace s18  }
0x93: {  	s3 =	sld [smem:$0x3FFC];
	_ =	sdelay $0x3  }
0x94: {  	_ =	strace s3  }
0x95: {  	s3 =	sld [smem:$0x3FFD];
	_ =	sdelay $0x3  }
0x96: {  	_ =	strace s3  }
0x97: {  	_ =	strace $0x8FFFFFFF  }
0x98: {  	s19 =	sld [smem:$0x3FDB];
	_ =	sdelay $0x1  }
0x99: {  	s4 =	simm.s32 $_scs_section_size  }
0x9a: {  	s5 =	simm.s32 $_size__tile_overlayer_lowered;
	s6 =	simm.s32 $_tile_overlayer_lowered  }
0x9b: {  	s22 =	simm.s32 $0x1BFF;
	s21 =	sshll.u32 s6, $0x1;
	s3 =	sadd.s32 s4, s19  }
0x9c: {  	s7 =	simm.s32 $0x0;
	s20 =	sshll.u32 s5, $0x1;
	s5 =	sadd.s32 s21, s3  }
0x9d: {  	[timem:s7], [sflag:s22] =	dma.local [hbm:s5], s20  }
0x9e: {  	_ =	swait.ge [sflag:s22], s20  }
0x9f: {  	s4 =	ssub.s32 $0x0, s20;
	[sflag:s22] =	ssyncset.done $0x0  }
0xa0: {  	[sflag:s22] =	ssyncadd.s32 s4;
	_ =	sdelay $0x1  }
0xa1: {  	s23 =	simm.s32 $0x1B8B  }
0xa2: {  	_ =	swait.ge [sflag:s23], $0x1  }
0xa3: {  	[sflag:s23] =	ssyncset.done $0x0  }
0xa4: {  	s25 =	simm.s32 $0x1B8E;
	s24 =	sld [smem:$0x3FFE];
	[sflag:s23] =	ssyncadd.s32 $0xFFFFFFFF  }
0xa5: {  	s26 =	simm.s32 $execute0_lowered;
	[smem:$0x3FD2] =	sst s25  }
0xa6: {  	s5 =	sshll.u32 s26, $0x1;
	_ =	strace $0x80000049;
	[dreg:$0x1] =	wrdreg $0xFFFFFFFF  }
0xa7: {  	s28 =	simm.s32 $_size_execute0_lowered;
	s3 =	sadd.s32 s3, s5;
	[dreg:$0x0] =	wrdreg $0x0  }
0xa8: {  	s5 =	sshll.u32 s28, $0x1;
	[dreg:$0x2] =	wrdreg s3  }
0xa9: {  	[dreg:$0x3] =	wrdreg s5  }
0xaa: {  	[dreg:$0x4] =	wrdreg $0xC0  }
0xab: {  	_ =	task [dreg:s7], $0x5FFFF  }
0xac: {  	[dreg:$0x1] =	wrdreg $0xFFFFFFFF  }
0xad: {  	[dreg:$0x0] =	wrdreg $0x60  }
0xae: {  	[dreg:$0x2] =	wrdreg s24  }
0xaf: {  	[dreg:$0x3] =	wrdreg s2  }
0xb0: {  	[dreg:$0x4] =	wrdreg $0x9  }
0xb1: {  	_ =	task.clear_ibuf [dreg:s7], $0x5FFFF;
	_ =	strace $0x90000049  }
0xb2: {  	s29 =	simm.s32 $0x9;
	_ =	strace $0x8000004B  }
0xb3: {  	_ =	swait.ge [sflag:s29], $0x1  }
0xb4: {  	[sflag:s29] =	ssyncadd.s32 $0xFFFFFFFF  }
0xb5: {  	_ =	strace $0x9000004B  }
0xb6: {  	_ =	sfence  }
0xb7: {  	s30 =	sld [smem:$0x0];
	_ =	sdelay $0x2  }
0xb8: {  	s31 =	sshll.u32 s1, $0xD;
	s1 =	sshrl.u32 s1, $0x2  }
0xb9: {  	s3 =	sand.u32 $0x4000, s31;
	s1 =	sadd.s32 s1, s30  }
0xba: {  	s0 =	sor.u32 s3, s0;
	s1 =	sshll.u32 s1, $0x11  }
0xbb: {  	s0 =	sor.u32 s1, s0  }
0xbc: {  	s0 =	sadd.s32 $0x8F2B, s0  }
0xbd: {  	[sflag:s0] =	ssyncadd.remote.s32 $0x1  }
0xbe: {  	_ =	sfence.sel $0xFFFF  }
0xbf: {  	[dreg:$0x0] =	wrdreg $0xFFFFFFFF;
	(pc) =	sbr.abs _section_cstart, $3  }
0xc0: {  	[dreg:$0x1] =	wrdreg $0xFFFFFFFF  }
0xc1: {  	_ =	task.clear_ibuf [dreg:s7], $0x2FFFF;
	_ =	strace $0x9FFFFFFF  }
0xc2: {  	(tm) =	ssettm $0x7FFFFFFF  }
0xc3: {  	_ =	shalt  }
tec
execute0_lowered:
.L_overlay_start_1:
0x0: {  	(tag) =	ssettag $0x1  }
0x1: {  	s5 =	rddreg [dreg:$0x0]  }
0x2: {  	s1 =	rddreg [dreg:$0x1]  }
0x3: {  	s0 =	rddreg [dreg:$0x2]  }
0x4: {  	s2 =	simm.s32 $0x0;
	s3 =	srdreg.scid;
	s9 =	simm.s32 $0x4B00  }
0x5: {  	s10 =	simm.s32 $0x10E80;
	s11 =	simm.s32 $0x2;
	s12 =	simm.s32 $0x3  }
0x6: {  	s13 =	simm.s32 $0x0;
	[smem:$0x7FF] =	sst s2;
	s6 =	sand.u32 $0x1, s3  }
0x7: {  	s4 =	sadd.s32 $0x8000, s5;
	s3 =	stileid.u32;
	s7 =	ssub.s32 $0x2, s6  }
0x8: {  	s5 =	sadd.s32 $0xD000, s5;
	_ =	strace $0x8000004A;
	s8 =	sshrl.u32 s7, $0x1  }
0x9: {  	s31 =	sshll.u32 s3, $0x2;
	s6 =	sshll.u32 s6, $0x1;
	s7 =	ssub.s32 s7, s8  }
0xa: {  	v0 =	vimm.f32 $0.0e+00;
	s6 =	sor.u32 s6, s31;
	s8 =	simm.s32 $0x1;
	s7 =	smax.u32 s7, $0x1  }
.LBB2_1:
0xb: {  	s14 =	simm.s32 $0x0  }
.LBB2_2:
0xc: {  	s17 =	simm.s32 $0x0;
	s15 =	simm.s32 $0x0;
	s16 =	simm.s32 $0x140  }
.LBB2_3:
0xd: {  	p0 =	sne.s32 s16, $0x30C00;
	[tilespmem:s15+$0x10EC0] =	vst v0  }
0xe: {  	[tilespmem:s15+$0x4B00] =	vst v0  }
0xf: {  	[tilespmem:s15+$0x10E80] =	vst v0  }
0x10: {  	[tilespmem:s15+$0x4B10] =	vst v0  }
0x11: {  	[tilespmem:s15+$0x10E90] =	vst v0  }
.Ltmp0:
0x12: {  	[tilespmem:s15+$0x4B20] =	vst v0;
	(pc) =	sbr.rel @p0 .LBB2_3-.Ltmp0, $4  }
0x13: {  	[tilespmem:s15+$0x10EA0] =	vst v0  }
0x14: {  	[tilespmem:s15+$0x4B30] =	vst v0  }
0x15: {  	[tilespmem:s15+$0x10EB0] =	vst v0  }
0x16: {  	[tilespmem:s15+$0x4B40] =	vst v0;
	s15 =	sshra.s32 s16, $0x2;
	s16 =	sadd.s32 $0x140, s16  }
0x17: {  	[tilespmem:s15+$0x10EC0] =	vst v0  }
0x18: {  	[tilespmem:s15+$0x4B00] =	vst v0  }
0x19: {  	[tilespmem:s15+$0x10E80] =	vst v0  }
0x1a: {  	[tilespmem:s15+$0x4B10] =	vst v0  }
0x1b: {  	[tilespmem:s15+$0x10E90] =	vst v0  }
0x1c: {  	[tilespmem:s15+$0x4B20] =	vst v0  }
0x1d: {  	[tilespmem:s15+$0x10EA0] =	vst v0  }
0x1e: {  	[tilespmem:s15+$0x4B30] =	vst v0  }
0x1f: {  	[tilespmem:s15+$0x10EB0] =	vst v0  }
0x20: {  	[tilespmem:s15+$0x4B40] =	vst v0;
	s15 =	simm.s32 $0x10;
	s18 =	sadd.s32 $0x0, s4;
	s16 =	simm.s32 $0x100  }
.LBB2_5:
0x21: {  	[tilespmem:s17], [sflag:$0x1] =	stream.linear.gather [hbm4b:s18+s2], $0x80, $0x38;
	[tilespmem:$0x1D200] =	vst v63  }
0x22: {  	s18 =	smov.u32 s15;
	s17 =	smov.u32 s16;
	p0 =	sne.s32 s15, $0x180  }
.Ltmp1:
0x23: {  	s15 =	sadd.s32 $0x10, s15;
	(pc) =	sbr.rel @p0 .LBB2_5-.Ltmp1, $2  }
0x24: {  	_ =	sdelay $0x2  }
0x25: {  	s16 =	sadd.s32 $0x100, s16;
	s18 =	sadd.s32 s18, s4  }
0x26: {  	s15 =	sshll.u32 s14, $0x6  }
0x27: {  	s15 =	sor.u32 s6, s15  }
0x28: {  	s16 =	smul.u32 $0x27100, s15  }
0x29: {  	[tilespmem:s17], [sflag:$0x1] =	stream.linear.gather [hbm4b:s18+s2], $0x80, $0x38;
	[tilespmem:$0x1D200] =	vst v63  }
0x2a: {  	s31 =	sshrl.u32 s16, $0x3  }
0x2b: {  	s18 =	simm.s32 $0x1900;
	s17 =	sadd.s32 s5, s31  }
0x2c: {  	s19 =	simm.s32 $0x10;
	s20 =	simm.s32 $0x1A00;
	s21 =	sadd.s32 $0x0, s17  }
.LBB2_7:
0x2d: {  	[tilespmem:s18], [sflag:$0x1] =	stream.linear.gather [hbm4b:s21+s2], $0x80, $0x38;
	[tilespmem:$0x1D200] =	vst v63  }
0x2e: {  	s21 =	smov.u32 s19;
	s18 =	smov.u32 s20;
	p0 =	sne.s32 s19, $0x180  }
.Ltmp2:
0x2f: {  	s19 =	sadd.s32 $0x10, s19;
	(pc) =	sbr.rel @p0 .LBB2_7-.Ltmp2, $2  }
0x30: {  	_ =	sdelay $0x2  }
0x31: {  	s20 =	sadd.s32 $0x100, s20;
	s21 =	sadd.s32 s21, s17  }
0x32: {  	[tilespmem:s18], [sflag:$0x1] =	stream.linear.gather [hbm4b:s21+s2], $0x80, $0x38;
	[tilespmem:$0x1D200] =	vst v63  }
0x33: {  	s17 =	sadd.s32 $0x27100, s16  }
0x34: {  	s31 =	sshrl.u32 s17, $0x3  }
0x35: {  	s18 =	simm.s32 $0x0;
	s20 =	simm.s32 $0x3200;
	s19 =	sadd.s32 s5, s31  }
0x36: {  	s21 =	simm.s32 $0x10;
	s22 =	simm.s32 $0x3300;
	s23 =	sadd.s32 $0x0, s19  }
.LBB2_9:
0x37: {  	[tilespmem:s20], [sflag:$0x1] =	stream.linear.gather [hbm4b:s23+s18], $0x80, $0x38;
	[tilespmem:$0x1D200] =	vst v63  }
0x38: {  	s23 =	smov.u32 s21;
	s20 =	smov.u32 s22;
	p0 =	sne.s32 s21, $0x180  }
.Ltmp3:
0x39: {  	s21 =	sadd.s32 $0x10, s21;
	(pc) =	sbr.rel @p0 .LBB2_9-.Ltmp3, $2  }
0x3a: {  	_ =	sdelay $0x2  }
0x3b: {  	s22 =	sadd.s32 $0x100, s22;
	s23 =	sadd.s32 s23, s19  }
0x3c: {  	[tilespmem:s20], [sflag:$0x1] =	stream.linear.gather [hbm4b:s23+s18], $0x80, $0x38;
	[tilespmem:$0x1D200] =	vst v63  }
.LBB2_11:
0x3d: {  	s19 =	smul.u32 $0x1900, s18;
	_ =	sdelay $0x1  }
0x3e: {  	s20 =	sadd.s32 $0xC80, s19  }
0x3f: {  	s21 =	sshrl.u32 s20, $0x3  }
0x40: {  	s22 =	simm.s32 $0x80;
	s21 =	sadd.s32 s4, s21  }
0x41: {  	s23 =	simm.s32 $0x10;
	s24 =	simm.s32 $0x180;
	s25 =	sadd.s32 $0x0, s21  }
.LBB2_12:
0x42: {  	[tilespmem:s22], [sflag:$0x2] =	stream.linear.gather [hbm4b:s25+s2], $0x80, $0x38;
	[tilespmem:$0x1D200] =	vst v63  }
0x43: {  	s25 =	smov.u32 s23;
	s22 =	smov.u32 s24;
	p0 =	sne.s32 s23, $0x180  }
.Ltmp4:
0x44: {  	s23 =	sadd.s32 $0x10, s23;
	(pc) =	sbr.rel @p0 .LBB2_12-.Ltmp4, $2  }
0x45: {  	_ =	sdelay $0x2  }
0x46: {  	s24 =	sadd.s32 $0x100, s24;
	s25 =	sadd.s32 s25, s21  }
0x47: {  	[tilespmem:s22], [sflag:$0x2] =	stream.linear.gather [hbm4b:s25+s2], $0x80, $0x38;
	[tilespmem:$0x1D200] =	vst v63  }
0x48: {  	s21 =	sadd.s32 s16, s20  }
0x49: {  	s21 =	sshrl.u32 s21, $0x3  }
0x4a: {  	s22 =	simm.s32 $0x1980;
	s21 =	sadd.s32 s5, s21  }
0x4b: {  	s23 =	simm.s32 $0x10;
	s24 =	simm.s32 $0x1A80;
	s25 =	sadd.s32 $0x0, s21  }
.LBB2_14:
0x4c: {  	[tilespmem:s22], [sflag:$0x2] =	stream.linear.gather [hbm4b:s25+s2], $0x80, $0x38;
	[tilespmem:$0x1D200] =	vst v63  }
0x4d: {  	s25 =	smov.u32 s23;
	s22 =	smov.u32 s24;
	p0 =	sne.s32 s23, $0x180  }
.Ltmp5:
0x4e: {  	s23 =	sadd.s32 $0x10, s23;
	(pc) =	sbr.rel @p0 .LBB2_14-.Ltmp5, $2  }
0x4f: {  	_ =	sdelay $0x2  }
0x50: {  	s24 =	sadd.s32 $0x100, s24;
	s25 =	sadd.s32 s25, s21  }
0x51: {  	[tilespmem:s22], [sflag:$0x2] =	stream.linear.gather [hbm4b:s25+s2], $0x80, $0x38;
	[tilespmem:$0x1D200] =	vst v63  }
0x52: {  	s20 =	sadd.s32 s17, s20  }
0x53: {  	s20 =	sshrl.u32 s20, $0x3  }
0x54: {  	s21 =	simm.s32 $0x3280;
	s20 =	sadd.s32 s5, s20  }
0x55: {  	s22 =	simm.s32 $0x10;
	s23 =	simm.s32 $0x3380;
	s24 =	sadd.s32 $0x0, s20  }
.LBB2_16:
0x56: {  	[tilespmem:s21], [sflag:$0x2] =	stream.linear.gather [hbm4b:s24+s2], $0x80, $0x38;
	[tilespmem:$0x1D200] =	vst v63  }
0x57: {  	s24 =	smov.u32 s22;
	s21 =	smov.u32 s23;
	p0 =	sne.s32 s22, $0x180  }
.Ltmp6:
0x58: {  	s22 =	sadd.s32 $0x10, s22;
	(pc) =	sbr.rel @p0 .LBB2_16-.Ltmp6, $2  }
0x59: {  	_ =	sdelay $0x2  }
0x5a: {  	s23 =	sadd.s32 $0x100, s23;
	s24 =	sadd.s32 s24, s20  }
0x5b: {  	[tilespmem:s21], [sflag:$0x2] =	stream.linear.gather [hbm4b:s24+s2], $0x80, $0x38;
	[tilespmem:$0x1D200] =	vst v63  }
0x5c: {  	_ =	swait.ge [sflag:s8], $0xC80  }
0x5d: {  	[sflag:s8] =	ssyncset.done $0x0  }
0x5e: {  	[sflag:s8] =	ssyncadd.s32 $0xFFFFF380  }
0x5f: {  	_ =	swait.ge [sflag:s8], $0xC80  }
0x60: {  	[sflag:s8] =	ssyncset.done $0x0  }
0x61: {  	[sflag:s8] =	ssyncadd.s32 $0xFFFFF380  }
0x62: {  	_ =	swait.ge [sflag:s8], $0xC80  }
0x63: {  	[sflag:s8] =	ssyncset.done $0x0  }
0x64: {  	s20 =	simm.s32 $0x0;
	s21 =	simm.s32 $0x0;
	[sflag:s8] =	ssyncadd.s32 $0xFFFFF380  }
.LBB2_18:
0x65: {  	s22 =	sand.u32 $0x70, s20;
	s23 =	sand.u32 $0x3F00, s21  }
0x66: {  	s22 =	sor.u32 s22, s23  }
0x67: {  	v1 =	vld [tilespmem:s22+$0x0];
	_ =	sdelay $0x2  }
0x68: {  	v2 =	vld [tilespmem:s22+$0x1900];
	_ =	sdelay $0x4  }
0x69: {  	[tilespmem:v1+s9+$0x0] =	vst.idx.add.f32.msk $0xffff, v2  }
0x6a: {  	v2 =	vld [tilespmem:s22+$0x3200];
	_ =	sdelay $0x2  }
0x6b: {  	s24 =	sadd.s32 $0x20, s21;
	s23 =	sadd.s32 $0x10, s20  }
0x6c: {  	s22 =	sand.u32 $0x70, s23;
	s23 =	sand.u32 $0x7F00, s24  }
0x6d: {  	s22 =	sor.u32 s22, s23;
	[tilespmem:v1+s10+$0x0] =	vst.idx.add.f32.msk $0xffff, v2  }
0x6e: {  	v1 =	vld [tilespmem:s22+$0x0];
	_ =	sdelay $0x2  }
0x6f: {  	v2 =	vld [tilespmem:s22+$0x1900];
	_ =	sdelay $0x4  }
0x70: {  	[tilespmem:v1+s9+$0x0] =	vst.idx.add.f32.msk $0xffff, v2  }
0x71: {  	v2 =	vld [tilespmem:s22+$0x3200];
	_ =	sdelay $0x2  }
0x72: {  	s25 =	sadd.s32 $0x20, s20;
	s26 =	sadd.s32 $0x40, s21  }
0x73: {  	s23 =	sand.u32 $0x7F00, s26;
	s22 =	sand.u32 $0x70, s25  }
0x74: {  	s22 =	sor.u32 s22, s23;
	[tilespmem:v1+s10+$0x0] =	vst.idx.add.f32.msk $0xffff, v2  }
0x75: {  	v1 =	vld [tilespmem:s22+$0x0];
	_ =	sdelay $0x2  }
0x76: {  	v2 =	vld [tilespmem:s22+$0x1900];
	_ =	sdelay $0x4  }
0x77: {  	[tilespmem:v1+s9+$0x0] =	vst.idx.add.f32.msk $0xffff, v2  }
0x78: {  	v2 =	vld [tilespmem:s22+$0x3200];
	_ =	sdelay $0x2  }
0x79: {  	s28 =	sadd.s32 $0x30, s20;
	s29 =	sadd.s32 $0x60, s21  }
0x7a: {  	s23 =	sand.u32 $0x7F00, s29;
	s22 =	sand.u32 $0x70, s28  }
0x7b: {  	s22 =	sor.u32 s22, s23;
	[tilespmem:v1+s10+$0x0] =	vst.idx.add.f32.msk $0xffff, v2  }
0x7c: {  	v1 =	vld [tilespmem:s22+$0x0];
	_ =	sdelay $0x2  }
0x7d: {  	v2 =	vld [tilespmem:s22+$0x1900];
	_ =	sdelay $0x4  }
0x7e: {  	[tilespmem:v1+s9+$0x0] =	vst.idx.add.f32.msk $0xffff, v2  }
0x7f: {  	v2 =	vld [tilespmem:s22+$0x3200];
	_ =	sdelay $0x2  }
0x80: {  	s30 =	sadd.s32 $0x40, s20;
	s31 =	sadd.s32 $0x80, s21  }
0x81: {  	s23 =	sand.u32 $0x7F00, s31;
	s22 =	sand.u32 $0x70, s30  }
0x82: {  	s22 =	sor.u32 s22, s23;
	[tilespmem:v1+s10+$0x0] =	vst.idx.add.f32.msk $0xffff, v2  }
0x83: {  	v1 =	vld [tilespmem:s22+$0x0];
	_ =	sdelay $0x2  }
0x84: {  	v2 =	vld [tilespmem:s22+$0x1900];
	_ =	sdelay $0x4  }
0x85: {  	[tilespmem:v1+s9+$0x0] =	vst.idx.add.f32.msk $0xffff, v2  }
0x86: {  	p0 =	sne.s32 s21, $0x1860;
	v2 =	vld [tilespmem:s22+$0x3200]  }
.Ltmp7:
0x87: {  	_ = 	snop;
	(pc) =	sbr.rel @p0 .LBB2_18-.Ltmp7, $2  }
0x88: {  	_ =	sdelay $0x2  }
0x89: {  	s21 =	sadd.s32 $0xA0, s21;
	s20 =	sadd.s32 $0x50, s20;
	[tilespmem:v1+s10+$0x0] =	vst.idx.add.f32.msk $0xffff, v2  }
0x8a: {  	p0 =	seq.s32 s18, $0x18  }
.Ltmp8:
0x8b: {  	_ = 	snop;
	(pc) =	sbr.rel @p0 .LBB2_27-.Ltmp8, $1  }
0x8c: {  	_ =	sdelay $0x3  }
0x8d: {  	s19 =	sadd.s32 $0x1900, s19  }
0x8e: {  	s20 =	sshrl.u32 s19, $0x3  }
0x8f: {  	s21 =	simm.s32 $0x0;
	s20 =	sadd.s32 s4, s20  }
0x90: {  	s22 =	simm.s32 $0x10;
	s23 =	simm.s32 $0x100;
	s24 =	sadd.s32 $0x0, s20  }
.LBB2_21:
0x91: {  	[tilespmem:s21], [sflag:$0x1] =	stream.linear.gather [hbm4b:s24+s2], $0x80, $0x38;
	[tilespmem:$0x1D200] =	vst v63  }
0x92: {  	s24 =	smov.u32 s22;
	s21 =	smov.u32 s23;
	p0 =	sne.s32 s22, $0x180  }
.Ltmp9:
0x93: {  	s22 =	sadd.s32 $0x10, s22;
	(pc) =	sbr.rel @p0 .LBB2_21-.Ltmp9, $2  }
0x94: {  	_ =	sdelay $0x2  }
0x95: {  	s23 =	sadd.s32 $0x100, s23;
	s24 =	sadd.s32 s24, s20  }
0x96: {  	[tilespmem:s21], [sflag:$0x1] =	stream.linear.gather [hbm4b:s24+s2], $0x80, $0x38;
	[tilespmem:$0x1D200] =	vst v63  }
0x97: {  	s20 =	sadd.s32 s16, s19  }
0x98: {  	s20 =	sshrl.u32 s20, $0x3  }
0x99: {  	s21 =	simm.s32 $0x1900;
	s20 =	sadd.s32 s5, s20  }
0x9a: {  	s22 =	simm.s32 $0x10;
	s23 =	simm.s32 $0x1A00;
	s24 =	sadd.s32 $0x0, s20  }
.LBB2_23:
0x9b: {  	[tilespmem:s21], [sflag:$0x1] =	stream.linear.gather [hbm4b:s24+s2], $0x80, $0x38;
	[tilespmem:$0x1D200] =	vst v63  }
0x9c: {  	s24 =	smov.u32 s22;
	s21 =	smov.u32 s23;
	p0 =	sne.s32 s22, $0x180  }
.Ltmp10:
0x9d: {  	s22 =	sadd.s32 $0x10, s22;
	(pc) =	sbr.rel @p0 .LBB2_23-.Ltmp10, $2  }
0x9e: {  	_ =	sdelay $0x2  }
0x9f: {  	s23 =	sadd.s32 $0x100, s23;
	s24 =	sadd.s32 s24, s20  }
0xa0: {  	[tilespmem:s21], [sflag:$0x1] =	stream.linear.gather [hbm4b:s24+s2], $0x80, $0x38;
	[tilespmem:$0x1D200] =	vst v63  }
0xa1: {  	s19 =	sadd.s32 s17, s19  }
0xa2: {  	s19 =	sshrl.u32 s19, $0x3  }
0xa3: {  	s20 =	simm.s32 $0x3200;
	s19 =	sadd.s32 s5, s19  }
0xa4: {  	s21 =	simm.s32 $0x10;
	s22 =	simm.s32 $0x3300;
	s23 =	sadd.s32 $0x0, s19  }
.LBB2_25:
0xa5: {  	[tilespmem:s20], [sflag:$0x1] =	stream.linear.gather [hbm4b:s23+s2], $0x80, $0x38;
	[tilespmem:$0x1D200] =	vst v63  }
0xa6: {  	s23 =	smov.u32 s21;
	s20 =	smov.u32 s22;
	p0 =	sne.s32 s21, $0x180  }
.Ltmp11:
0xa7: {  	s21 =	sadd.s32 $0x10, s21;
	(pc) =	sbr.rel @p0 .LBB2_25-.Ltmp11, $2  }
0xa8: {  	_ =	sdelay $0x2  }
0xa9: {  	s22 =	sadd.s32 $0x100, s22;
	s23 =	sadd.s32 s23, s19  }
0xaa: {  	[tilespmem:s20], [sflag:$0x1] =	stream.linear.gather [hbm4b:s23+s2], $0x80, $0x38;
	[tilespmem:$0x1D200] =	vst v63  }
.LBB2_27:
0xab: {  	_ =	swait.ge [sflag:s11], $0xC80  }
0xac: {  	[sflag:s11] =	ssyncset.done $0x0  }
0xad: {  	[sflag:s11] =	ssyncadd.s32 $0xFFFFF380  }
0xae: {  	_ =	swait.ge [sflag:s11], $0xC80  }
0xaf: {  	[sflag:s11] =	ssyncset.done $0x0  }
0xb0: {  	[sflag:s11] =	ssyncadd.s32 $0xFFFFF380  }
0xb1: {  	_ =	swait.ge [sflag:s11], $0xC80  }
0xb2: {  	[sflag:s11] =	ssyncset.done $0x0  }
0xb3: {  	s19 =	simm.s32 $0x0;
	s20 =	simm.s32 $0x0;
	[sflag:s11] =	ssyncadd.s32 $0xFFFFF380  }
.LBB2_28:
0xb4: {  	s21 =	sand.u32 $0x70, s19;
	s22 =	sand.u32 $0x3F00, s20  }
0xb5: {  	s21 =	sor.u32 s22, s21  }
0xb6: {  	v1 =	vld [tilespmem:s21+$0x80];
	_ =	sdelay $0x2  }
0xb7: {  	v2 =	vld [tilespmem:s21+$0x1980];
	_ =	sdelay $0x4  }
0xb8: {  	[tilespmem:v1+s9+$0x0] =	vst.idx.add.f32.msk $0xffff, v2  }
0xb9: {  	v2 =	vld [tilespmem:s21+$0x3280];
	_ =	sdelay $0x2  }
0xba: {  	s23 =	sadd.s32 $0x10, s19;
	s24 =	sadd.s32 $0x20, s20  }
0xbb: {  	s22 =	sand.u32 $0x7F00, s24;
	s21 =	sand.u32 $0x70, s23  }
0xbc: {  	s21 =	sor.u32 s22, s21;
	[tilespmem:v1+s10+$0x0] =	vst.idx.add.f32.msk $0xffff, v2  }
0xbd: {  	v1 =	vld [tilespmem:s21+$0x80];
	_ =	sdelay $0x2  }
0xbe: {  	v2 =	vld [tilespmem:s21+$0x1980];
	_ =	sdelay $0x4  }
0xbf: {  	[tilespmem:v1+s9+$0x0] =	vst.idx.add.f32.msk $0xffff, v2  }
0xc0: {  	v2 =	vld [tilespmem:s21+$0x3280];
	_ =	sdelay $0x2  }
0xc1: {  	s25 =	sadd.s32 $0x20, s19;
	s26 =	sadd.s32 $0x40, s20  }
0xc2: {  	s22 =	sand.u32 $0x7F00, s26;
	s21 =	sand.u32 $0x70, s25  }
0xc3: {  	s21 =	sor.u32 s22, s21;
	[tilespmem:v1+s10+$0x0] =	vst.idx.add.f32.msk $0xffff, v2  }
0xc4: {  	v1 =	vld [tilespmem:s21+$0x80];
	_ =	sdelay $0x2  }
0xc5: {  	v2 =	vld [tilespmem:s21+$0x1980];
	_ =	sdelay $0x4  }
0xc6: {  	[tilespmem:v1+s9+$0x0] =	vst.idx.add.f32.msk $0xffff, v2  }
0xc7: {  	v2 =	vld [tilespmem:s21+$0x3280];
	_ =	sdelay $0x2  }
0xc8: {  	s28 =	sadd.s32 $0x30, s19;
	s29 =	sadd.s32 $0x60, s20  }
0xc9: {  	s22 =	sand.u32 $0x7F00, s29;
	s21 =	sand.u32 $0x70, s28  }
0xca: {  	s21 =	sor.u32 s22, s21;
	[tilespmem:v1+s10+$0x0] =	vst.idx.add.f32.msk $0xffff, v2  }
0xcb: {  	v1 =	vld [tilespmem:s21+$0x80];
	_ =	sdelay $0x2  }
0xcc: {  	v2 =	vld [tilespmem:s21+$0x1980];
	_ =	sdelay $0x4  }
0xcd: {  	[tilespmem:v1+s9+$0x0] =	vst.idx.add.f32.msk $0xffff, v2  }
0xce: {  	v2 =	vld [tilespmem:s21+$0x3280];
	_ =	sdelay $0x2  }
0xcf: {  	s30 =	sadd.s32 $0x40, s19;
	s31 =	sadd.s32 $0x80, s20  }
0xd0: {  	s22 =	sand.u32 $0x7F00, s31;
	s21 =	sand.u32 $0x70, s30  }
0xd1: {  	s21 =	sor.u32 s22, s21;
	[tilespmem:v1+s10+$0x0] =	vst.idx.add.f32.msk $0xffff, v2  }
0xd2: {  	v1 =	vld [tilespmem:s21+$0x80];
	_ =	sdelay $0x2  }
0xd3: {  	v2 =	vld [tilespmem:s21+$0x1980];
	_ =	sdelay $0x4  }
0xd4: {  	[tilespmem:v1+s9+$0x0] =	vst.idx.add.f32.msk $0xffff, v2  }
0xd5: {  	p0 =	sne.s32 s20, $0x1860;
	v2 =	vld [tilespmem:s21+$0x3280]  }
.Ltmp12:
0xd6: {  	_ = 	snop;
	(pc) =	sbr.rel @p0 .LBB2_28-.Ltmp12, $2  }
0xd7: {  	_ =	sdelay $0x2  }
0xd8: {  	s19 =	sadd.s32 $0x50, s19;
	s20 =	sadd.s32 $0xA0, s20;
	[tilespmem:v1+s10+$0x0] =	vst.idx.add.f32.msk $0xffff, v2  }
0xd9: {  	s18 =	sadd.s32 $0x1, s18  }
0xda: {  	p0 =	sne.s32 s18, $0x19  }
.Ltmp13:
0xdb: {  	_ = 	snop;
	(pc) =	sbr.rel @p0 .LBB2_11-.Ltmp13, $1  }
0xdc: {  	_ =	sdelay $0x3  }
0xdd: {  	s15 =	smul.u32 $0xC350, s15;
	_ =	sdelay $0x1  }
0xde: {  	s15 =	sshrl.u32 s15, $0x3  }
0xdf: {  	s15 =	sadd.s32 s1, s15  }
0xe0: {  	[hbm4b:s15+s2] =	stream.linear.scatter [tilespmem:s9], [sflag:$0x3], $0xC350, $0x38;
	[tilespmem:$0x1D200] =	vst v63  }
0xe1: {  	s14 =	sadd.s32 $0x1, s14;
	_ =	swait.ge [sflag:s12], $0xC350  }
0xe2: {  	p0 =	sne.s32 s14, $0x4;
	[sflag:s12] =	ssyncset.done $0x0  }
.Ltmp14:
0xe3: {  	s15 =	sadd.s32 $0x186A, s15;
	[sflag:s12] =	ssyncadd.s32 $0xFFFF3CB0;
	(pc) =	sbr.rel @p0 .LBB2_2-.Ltmp14, $4  }
0xe4: {  	[hbm4b:s15+s2] =	stream.linear.scatter [tilespmem:s10], [sflag:$0x3], $0xC350, $0x38;
	[tilespmem:$0x1D200] =	vst v63  }
0xe5: {  	_ =	swait.ge [sflag:s12], $0xC350  }
0xe6: {  	[sflag:s12] =	ssyncset.done $0x0  }
0xe7: {  	[sflag:s12] =	ssyncadd.s32 $0xFFFF3CB0  }
0xe8: {  	s13 =	sadd.s32 $0x1, s13  }
0xe9: {  	p0 =	sne.s32 s13, s7  }
.Ltmp15:
0xea: {  	_ = 	snop;
	(pc) =	sbr.rel @p0 .LBB2_1-.Ltmp15, $1  }
0xeb: {  	_ =	sdelay $0x3  }
0xec: {  	_ =	sfence.sel $0x180000  }
0xed: {  	[bflag:$0x0] =	sbarrier.arrive $0xFFFF  }
0xee: {  	p0 =	sne.s32 s3, $0x0;
	_ =	strace $0x9000004A  }
0xef: {  	s0 =	sadd.s32 @!p0 $0x100000, s0;
	[bflag:$0x2] =	sbarrier.arrive $0xFFFF  }
0xf0: {  	[sflag:s0] =	ssyncadd.tile.s32 @!p0 $0x1;
	_ =	shalt  }
.Lfunc_end2:
_tile_overlayer_lowered:
.L_overlay_start_2:
0xf1: {  	(tag) =	ssettag $0x2  }
0xf2: {  	s0 =	rddreg [dreg:$0x0];
	s2 =	stileid.u32  }
0xf3: {  	s1 =	rddreg [dreg:$0x1];
	p0 =	sne.s32 s2, $0x0  }
0xf4: {  	s3 =	rddreg [dreg:$0x2];
	[bflag:$0x3] =	sbarrier.arrive $0xFFFF;
	s2 =	simm.s32 @!p0 $0x1C03  }
0xf5: {  	[timem:s3], [sflag:s2] =	dma.local @!p0 [hbm:s0], s1  }
0xf6: {  	s0 =	simm.s32 @!p0 $0x3  }
0xf7: {  	_ =	swait.ge @!p0 [sflag:s0], s1  }
0xf8: {  	s1 =	ssub.s32 @!p0 $0x0, s1;
	[sflag:s0] =	ssyncset.done @!p0 $0x0  }
0xf9: {  	[sflag:s0] =	ssyncadd.s32 @!p0 s1  }
0xfa: {  	[bflag:$0x3] =	sbarrier.arrive $0xFFFF  }
0xfb: {  	_ =	shalt  }

// kernel: kernel.8.cloned.1.call-start
scs
__scs_entry_jumppad:
0x0: {  	(pc) =	sbr.rel $0x88, $3  }
0x1: {  	(tag) =	ssettag $0x0;
	lr =	simm.s32 $0x1  }
0x2: {  	[smem:$0x3F8F] =	sst lr;
	_ =	strace $0xD0000000  }
0x3: {  	_ = 	snop  }
0x4: {  	_ = 	snop  }
0x5: {  	_ = 	snop  }
0x6: {  	_ = 	snop  }
0x7: {  	_ = 	snop  }
__scs_overlays_trampoline_lowered:
0x8: {  	[smem:$0x3F9E] =	sst s0  }
0x9: {  	[smem:$0x3F9F] =	sst s1  }
0xa: {  	[smem:$0x3FA0] =	sst s2  }
0xb: {  	[smem:$0x3FA1] =	sst s3  }
0xc: {  	[smem:$0x3FA2] =	sst s4  }
0xd: {  	[smem:$0x3FA3] =	sst s5  }
0xe: {  	[smem:$0x3FA4] =	sst s6  }
0xf: {  	[smem:$0x3FA5] =	sst s7  }
0x10: {  	[smem:$0x3FA6] =	sst s8  }
0x11: {  	[smem:$0x3FA7] =	sst s9;
	s0 =	simm.s32 @!p0 $0x0  }
0x12: {  	s1 =	sld [smem:$0x3F8D];
	s0 =	simm.s32 @p0 $0x1  }
0x13: {  	[smem:$0x3FA8] =	sst s0;
	s0 =	simm.s32 @!p1 $0x0  }
0x14: {  	s2 =	sld [smem:$0x3F8C];
	s0 =	simm.s32 @p1 $0x1  }
0x15: {  	[smem:$0x3FA9] =	sst s0;
	s0 =	simm.s32 @!p2 $0x0  }
0x16: {  	s3 =	sld [smem:$0x3FDB];
	s0 =	simm.s32 @p2 $0x1  }
0x17: {  	s4 =	simm.s32 $0x1BF5;
	[smem:$0x3FAB] =	sst s0  }
0x18: {  	s0 =	sld [smem:$0x3F8E];
	_ =	swait.ge [sflag:s4], $0x0  }
0x19: {  	s7 =	sld [smem:$0x3F8F]  }
0x1a: {  	s8 =	sadd.s32 $0xFFFFE003, lr  }
0x1b: {  	s9 =	sadd.s32 $0xFFFFFEF7, lr;
	s5 =	simm.s32 $0xFFFFFFFF;
	p2 =	slt.u32 s8, $0xFFFFF086  }
0x1c: {  	p1 =	slt.u32 s9, $0xF7A;
	s5 =	simm.s32 @!p2 $0x0  }
0x1d: {  	s5 =	simm.s32 @p1 $0x1;
	p0 =	seq.s32 s7, s2  }
0x1e: {  	s7 =	smul.u32 @!p0 $0xF7A, s2;
	p2 =	seq.s32 @!p0 s5, $0x0  }
0x1f: {  	s9 =	smul.u32 $0xF7A, s1;
	s8 =	simm.s32 @!p0 $0x1BF5;
	p2 =	por !p2, p0  }
0x20: {  	[sflag:s8] =	ssyncset.s32 @!p0 $0xFFFFF086;
	s6 =	sadd.s32 @!p0 s3, s7;
	s7 =	simm.s32 @!p0 $0x108  }
0x21: {  	s3 =	sadd.s32 s3, s9;
	s6 =	sadd.s32 @!p0 $0x88, s6;
	s7 =	simm.s32 @p2 $0x1082  }
0x22: {  	[simem:s7], [sflag:s8] =	dma.local @!p0 [hbm:s6], $0xF7A  }
0x23: {  	s9 =	sor.u32 $0xD0000000, s2;
	s6 =	simm.s32 $0x108;
	_ =	swait.ge @!p0 [sflag:s8], $0x0  }
0x24: {  	s3 =	sadd.s32 $0x88, s3;
	s6 =	simm.s32 @!p1 $0x1082;
	[sflag:s4] =	ssyncset.s32 $0xFFFFF086  }
0x25: {  	[simem:s6], [sflag:s4] =	dma.local [hbm:s3], $0xF7A  }
0x26: {  	[smem:$0x3F8F] =	sst s1;
	(tag) =	ssettag s2;
	_ =	strace s9  }
0x27: {  	s1 =	sld [smem:$0x3F9F]  }
0x28: {  	s2 =	sld [smem:$0x3FA0]  }
0x29: {  	s4 =	sld [smem:$0x3FA2]  }
0x2a: {  	p0 =	seq.s32 s5, $0x0;
	s5 =	sld [smem:$0x3FA3]  }
0x2b: {  	s6 =	sld [smem:$0x3FA4]  }
0x2c: {  	s7 =	sld [smem:$0x3FA5]  }
0x2d: {  	s3 =	simm.s32 $0x108;
	s8 =	sld [smem:$0x3FA6]  }
0x2e: {  	s3 =	simm.s32 @!p0 $0x1082;
	s9 =	sld [smem:$0x3FA7]  }
0x2f: {  	lr =	sadd.s32 s0, s3;
	s0 =	sld [smem:$0x3F9E]  }
0x30: {  	s3 =	sld [smem:$0x3FA1]  }
0x31: {  	[smem:$0x3FAA] =	sst s10  }
0x32: {  	s10 =	sld [smem:$0x3FA8];
	_ =	sdelay $0x3  }
0x33: {  	p0 =	seq.s32 s10, $0x1;
	s10 =	sld [smem:$0x3FAA];
	_ =	sdelay $0x3  }
0x34: {  	[smem:$0x3FAA] =	sst s10  }
0x35: {  	s10 =	sld [smem:$0x3FA9];
	_ =	sdelay $0x3  }
0x36: {  	p1 =	seq.s32 s10, $0x1;
	s10 =	sld [smem:$0x3FAA];
	_ =	sdelay $0x3  }
0x37: {  	[smem:$0x3FAA] =	sst s10  }
0x38: {  	s10 =	sld [smem:$0x3FAB]  }
0x39: {  	_ = 	snop;
	(pc) =	sbr.ind lr, $3  }
0x3a: {  	_ = 	snop  }
0x3b: {  	_ = 	snop  }
0x3c: {  	p2 =	seq.s32 s10, $0x1;
	s10 =	sld [smem:$0x3FAA]  }
0x3d: {  	_ =	shalt  }
0x3e: {  	_ =	shalt  }
0x3f: {  	_ =	shalt  }
0x40: {  	_ =	shalt  }
0x41: {  	_ =	shalt  }
0x42: {  	_ =	shalt  }
0x43: {  	_ =	shalt  }
0x44: {  	_ =	shalt  }
0x45: {  	_ =	shalt  }
0x46: {  	_ =	shalt  }
0x47: {  	_ =	shalt  }
0x48: {  	_ =	shalt  }
0x49: {  	_ =	shalt  }
0x4a: {  	_ =	shalt  }
0x4b: {  	_ =	shalt  }
0x4c: {  	_ =	shalt  }
0x4d: {  	_ =	shalt  }
0x4e: {  	_ =	shalt  }
0x4f: {  	_ =	shalt  }
0x50: {  	_ =	shalt  }
0x51: {  	_ =	shalt  }
0x52: {  	_ =	shalt  }
0x53: {  	_ =	shalt  }
0x54: {  	_ =	shalt  }
0x55: {  	_ =	shalt  }
0x56: {  	_ =	shalt  }
0x57: {  	_ =	shalt  }
0x58: {  	_ =	shalt  }
0x59: {  	_ =	shalt  }
0x5a: {  	_ =	shalt  }
0x5b: {  	_ =	shalt  }
0x5c: {  	_ =	shalt  }
0x5d: {  	_ =	shalt  }
0x5e: {  	_ =	shalt  }
0x5f: {  	_ =	shalt  }
0x60: {  	_ =	shalt  }
0x61: {  	_ =	shalt  }
0x62: {  	_ =	shalt  }
0x63: {  	_ =	shalt  }
0x64: {  	_ =	shalt  }
0x65: {  	_ =	shalt  }
0x66: {  	_ =	shalt  }
0x67: {  	_ =	shalt  }
0x68: {  	_ =	shalt  }
0x69: {  	_ =	shalt  }
0x6a: {  	_ =	shalt  }
0x6b: {  	_ =	shalt  }
0x6c: {  	_ =	shalt  }
0x6d: {  	_ =	shalt  }
0x6e: {  	_ =	shalt  }
0x6f: {  	_ =	shalt  }
0x70: {  	_ =	shalt  }
0x71: {  	_ =	shalt  }
0x72: {  	_ =	shalt  }
0x73: {  	_ =	shalt  }
0x74: {  	_ =	shalt  }
0x75: {  	_ =	shalt  }
0x76: {  	_ =	shalt  }
0x77: {  	_ =	shalt  }
0x78: {  	_ =	shalt  }
0x79: {  	_ =	shalt  }
0x7a: {  	_ =	shalt  }
0x7b: {  	_ =	shalt  }
0x7c: {  	_ =	shalt  }
0x7d: {  	_ =	shalt  }
0x7e: {  	_ =	shalt  }
0x7f: {  	_ =	shalt  }
0x80: {  	_ =	shalt  }
0x81: {  	_ =	shalt  }
0x82: {  	_ =	shalt  }
0x83: {  	_ =	shalt  }
0x84: {  	_ =	shalt  }
0x85: {  	_ =	shalt  }
0x86: {  	_ =	shalt  }
0x87: {  	_ =	shalt  }
.Lfunc_end0:
.L_simem_size_0:
called_computation_lowered:
.L_overlay_start_0:
0x88: {  	s2 =	sld [smem:$0x3FD9]  }
0x89: {  	s3 =	sld [smem:$0x3FFE];
	_ =	sdelay $0x1  }
0x8a: {  	s1 =	srdreg.scid  }
0x8b: {  	s0 =	sand.u32 $0x1, s1  }
0x8c: {  	s17 =	sshll.u32 s0, $0xA;
	s2 =	sadd.s32 s3, s2  }
0x8d: {  	s2 =	sadd.s32 s2, s17  }
0x8e: {  	[smem:$0x3FB6] =	sst s2  }
0x8f: {  	_ = 	snop  }
0x90: {  	s2 =	sld [smem:$0x3FD0];
	(tm) =	ssettm $0x1  }
0x91: {  	s18 =	sld [smem:$0x3FFB];
	_ =	sdelay $0x3  }
0x92: {  	_ =	strace s18  }
0x93: {  	s3 =	sld [smem:$0x3FFC];
	_ =	sdelay $0x3  }
0x94: {  	_ =	strace s3  }
0x95: {  	s3 =	sld [smem:$0x3FFD];
	_ =	sdelay $0x3  }
0x96: {  	_ =	strace s3  }
0x97: {  	_ =	strace $0x8FFFFFFF  }
0x98: {  	s19 =	sld [smem:$0x3FDB];
	_ =	sdelay $0x1  }
0x99: {  	s4 =	simm.s32 $_scs_section_size  }
0x9a: {  	s5 =	simm.s32 $_size__tile_overlayer_lowered;
	s6 =	simm.s32 $_tile_overlayer_lowered  }
0x9b: {  	s22 =	simm.s32 $0x1BFF;
	s21 =	sshll.u32 s6, $0x1;
	s3 =	sadd.s32 s4, s19  }
0x9c: {  	s7 =	simm.s32 $0x0;
	s20 =	sshll.u32 s5, $0x1;
	s5 =	sadd.s32 s21, s3  }
0x9d: {  	[timem:s7], [sflag:s22] =	dma.local [hbm:s5], s20  }
0x9e: {  	_ =	swait.ge [sflag:s22], s20  }
0x9f: {  	s4 =	ssub.s32 $0x0, s20;
	[sflag:s22] =	ssyncset.done $0x0  }
0xa0: {  	[sflag:s22] =	ssyncadd.s32 s4;
	_ =	sdelay $0x1  }
0xa1: {  	s23 =	simm.s32 $0x1B8B  }
0xa2: {  	_ =	swait.ge [sflag:s23], $0x1  }
0xa3: {  	[sflag:s23] =	ssyncset.done $0x0  }
0xa4: {  	s25 =	simm.s32 $0x1B8E;
	s24 =	sld [smem:$0x3FFE];
	[sflag:s23] =	ssyncadd.s32 $0xFFFFFFFF  }
0xa5: {  	s26 =	simm.s32 $execute0_lowered;
	[smem:$0x3FD2] =	sst s25  }
0xa6: {  	s5 =	sshll.u32 s26, $0x1;
	_ =	strace $0x80000046;
	[dreg:$0x1] =	wrdreg $0xFFFFFFFF  }
0xa7: {  	s28 =	simm.s32 $_size_execute0_lowered;
	s3 =	sadd.s32 s3, s5;
	[dreg:$0x0] =	wrdreg $0x0  }
0xa8: {  	s5 =	sshll.u32 s28, $0x1;
	[dreg:$0x2] =	wrdreg s3  }
0xa9: {  	[dreg:$0x3] =	wrdreg s5  }
0xaa: {  	[dreg:$0x4] =	wrdreg $0xC0  }
0xab: {  	_ =	task [dreg:s7], $0x5FFFF  }
0xac: {  	[dreg:$0x1] =	wrdreg $0xFFFFFFFF  }
0xad: {  	[dreg:$0x0] =	wrdreg $0x60  }
0xae: {  	[dreg:$0x2] =	wrdreg s24  }
0xaf: {  	[dreg:$0x3] =	wrdreg s2  }
0xb0: {  	[dreg:$0x4] =	wrdreg $0x9  }
0xb1: {  	_ =	task.clear_ibuf [dreg:s7], $0x5FFFF;
	_ =	strace $0x90000046  }
0xb2: {  	s29 =	simm.s32 $0x9;
	_ =	strace $0x80000048  }
0xb3: {  	_ =	swait.ge [sflag:s29], $0x1  }
0xb4: {  	[sflag:s29] =	ssyncadd.s32 $0xFFFFFFFF  }
0xb5: {  	_ =	strace $0x90000048  }
0xb6: {  	_ =	sfence  }
0xb7: {  	s30 =	sld [smem:$0x0];
	_ =	sdelay $0x2  }
0xb8: {  	s31 =	sshll.u32 s1, $0xD;
	s1 =	sshrl.u32 s1, $0x2  }
0xb9: {  	s3 =	sand.u32 $0x4000, s31;
	s1 =	sadd.s32 s1, s30  }
0xba: {  	s0 =	sor.u32 s3, s0;
	s1 =	sshll.u32 s1, $0x11  }
0xbb: {  	s0 =	sor.u32 s1, s0  }
0xbc: {  	s0 =	sadd.s32 $0x8F2B, s0  }
0xbd: {  	[sflag:s0] =	ssyncadd.remote.s32 $0x1  }
0xbe: {  	_ =	sfence.sel $0xFFFF  }
0xbf: {  	[dreg:$0x0] =	wrdreg $0xFFFFFFFF;
	(pc) =	sbr.abs _section_cstart, $3  }
0xc0: {  	[dreg:$0x1] =	wrdreg $0xFFFFFFFF  }
0xc1: {  	_ =	task.clear_ibuf [dreg:s7], $0x2FFFF;
	_ =	strace $0x9FFFFFFF  }
0xc2: {  	(tm) =	ssettm $0x7FFFFFFF  }
0xc3: {  	_ =	shalt  }
tec
execute0_lowered:
.L_overlay_start_1:
0x0: {  	(tag) =	ssettag $0x1  }
0x1: {  	s0 =	rddreg [dreg:$0x0]  }
0x2: {  	s1 =	srdreg.scid;
	s2 =	rddreg [dreg:$0x1];
	s3 =	simm.s32 $0x0  }
0x3: {  	s6 =	stileid.u32;
	s26 =	simm.s32 $0x3000;
	[smem:$0x7FF] =	sst s3  }
0x4: {  	s10 =	simm.s32 $0x3800;
	_ =	strace $0x80000047;
	[dreg:$0x5] =	wrdreg s26  }
0x5: {  	s11 =	simm.s32 $0x4000;
	s13 =	simm.s32 $0x4800;
	[dreg:$0x6] =	wrdreg s10  }
0x6: {  	s14 =	simm.s32 $0x5000;
	s16 =	simm.s32 $0x5800;
	[dreg:$0x7] =	wrdreg s11  }
0x7: {  	s17 =	simm.s32 $0x6000;
	s18 =	simm.s32 $0x6800;
	[dreg:$0x8] =	wrdreg s13  }
0x8: {  	s19 =	simm.s32 $0x7000;
	s20 =	simm.s32 $0x7800;
	[dreg:$0x9] =	wrdreg s14  }
0x9: {  	s22 =	simm.s32 $0x8000;
	s23 =	simm.s32 $0x8800;
	[dreg:$0xa] =	wrdreg s16  }
0xa: {  	s24 =	simm.s32 $0x9000;
	s28 =	simm.s32 $0x11800;
	[dreg:$0xb] =	wrdreg s17  }
0xb: {  	s29 =	simm.s32 $0x12000;
	s30 =	simm.s32 $0x1;
	[dreg:$0xc] =	wrdreg s18  }
0xc: {  	s31 =	simm.s32 $0x2;
	s1 =	sand.u32 $0x1, s1;
	[dreg:$0xd] =	wrdreg s19  }
0xd: {  	s4 =	smul.u32 $0x271000, s6;
	s6 =	sshll.u32 s6, $0x1;
	[dreg:$0xe] =	wrdreg s20  }
0xe: {  	s8 =	sadd.s32 $0x53D200, s0;
	s7 =	sadd.s32 $0x5B200, s0;
	[dreg:$0xf] =	wrdreg s22  }
0xf: {  	s5 =	smul.u32 $0x138800, s1;
	s25 =	sor.u32 s1, s6;
	[dreg:$0x10] =	wrdreg s23  }
0x10: {  	s1 =	ssub.s32 $0x2, s1;
	s10 =	simm.s32 $0x3;
	[dreg:$0x11] =	wrdreg s24  }
0x11: {  	s26 =	simm.s32 $0xA000;
	s13 =	simm.s32 $0xA800;
	s14 =	simm.s32 $0xB000  }
0x12: {  	s16 =	simm.s32 $0xC000;
	s17 =	simm.s32 $0xC800;
	s18 =	simm.s32 $0xD000  }
0x13: {  	s19 =	simm.s32 $0xD800;
	s20 =	simm.s32 $0xE000;
	s22 =	simm.s32 $0xF000  }
0x14: {  	s23 =	simm.s32 $0xF800;
	s24 =	simm.s32 $0x10000;
	s6 =	smul.u32 $0x271, s25  }
0x15: {  	s12 =	sshrl.u32 s1, $0x1;
	[dreg:$0x13] =	wrdreg s26;
	s26 =	simm.s32 $0x11000  }
0x16: {  	s4 =	sadd.s32 s5, s4;
	s1 =	ssub.s32 s1, s12;
	s5 =	smul.u32 $0x138800, s25  }
0x17: {  	s25 =	simm.s32 $0x9800;
	s12 =	simm.s32 $0x2800;
	s4 =	sshrl.u32 s4, $0x3  }
0x18: {  	s6 =	sadd.s32 s6, s0;
	[dreg:$0x12] =	wrdreg s25;
	s9 =	sadd.s32 s4, s8  }
0x19: {  	s25 =	simm.s32 $0x10800;
	s4 =	sadd.s32 s4, s7;
	[dreg:$0x3] =	wrdreg s9  }
0x1a: {  	s15 =	sadd.s32 $0x3000, s6;
	s6 =	sadd.s32 $0x8000, s6;
	[dreg:$0x4] =	wrdreg s4  }
0x1b: {  	s5 =	sshrl.u32 s5, $0x3;
	s4 =	sadd.s32 $0xD000, s0;
	[dreg:$0x14] =	wrdreg s15  }
0x1c: {  	v2 =	vlaneseq.u32;
	[dreg:$0x15] =	wrdreg s6;
	s5 =	sadd.s32 $0x27000, s5;
	s9 =	smax.u32 s1, $0x1  }
0x1d: {  	vm0 =	vmmov $0xffff;
	v1 =	vshrl.u32 v2, $0x3;
	s15 =	simm.s32 $0xB800;
	s1 =	simm.s32 $0x0;
	s21 =	sadd.s32 s7, s5  }
0x1e: {  	v0 =	vand.u32 $0x7, v2;
	v2 =	vor.u32 $0x8, v2;
	v1 =	vmul.u32 $0x8, v1;
	s8 =	sadd.s32 s8, s5;
	[dreg:$0x16] =	wrdreg s21;
	s21 =	simm.s32 $0xE800  }
.LBB2_1:
0x1f: {  	s0 =	rddreg [dreg:$0x14]  }
0x20: {  	[tilespmem:s3], [sflag:$0x3] =	stream.linear.gather [hbm4b:s0+s3], $0x1388, $0x38;
	[tilespmem:$0x12800] =	vst v63  }
0x21: {  	_ =	swait.ge [sflag:s10], $0x1388  }
0x22: {  	[sflag:s10] =	ssyncset.done $0x0  }
0x23: {  	s5 =	simm.s32 $0x1400;
	s11 =	rddreg [dreg:$0x15];
	[sflag:s10] =	ssyncadd.s32 $0xFFFFEC78  }
0x24: {  	[tilespmem:s5], [sflag:$0x3] =	stream.linear.gather [hbm4b:s11+s3], $0x1388, $0x38;
	[tilespmem:$0x12800] =	vst v63  }
0x25: {  	_ =	swait.ge [sflag:s10], $0x1388  }
0x26: {  	s0 =	simm.s32 $0x1440;
	[sflag:s10] =	ssyncset.done $0x0  }
0x27: {  	s11 =	simm.s32 $0x40;
	s5 =	simm.s32 $0x0;
	[sflag:s10] =	ssyncadd.s32 $0xFFFFEC78  }
.LBB2_2:
0x28: {  	v3 =	vld [tilespmem:s11+$0xFFFFFFC0];
	_ =	sdelay $0x4  }
0x29: {  	v4 =	vshll.u32 v3, $0x1  }
0x2a: {  	v3 =	vand.u32 $0x7, v3;
	v4 =	vand.u32 $0xFFFFFFF0, v4  }
0x2b: {  	v3 =	vor.u32 v3, v4  }
0x2c: {  	v4 =	vperm.xlane v3, v0;
	_ =	sdelay $0x1  }
0x2d: {  	v3 =	vperm.xlane v3, v2;
	v4 =	vadd.s32 v1, v4;
	_ =	sdelay $0x1  }
0x2e: {  	v3 =	vadd.s32 v1, v3;
	_ =	sdelay $0x2  }
0x2f: {  	[tilespmem:s12], [sflag:$0x1] =	stream.indirect_vreg.gather [hbm4b:s4+s3], $0x80, v4, vm0, $0xb8;
	[tilespmem:$0x12800] =	vst v63  }
0x30: {  	s6 =	rddreg [dreg:$0x5]  }
0x31: {  	[tilespmem:s6], [sflag:$0x1] =	stream.indirect_vreg.gather [hbm4b:s4+s3], $0x80, v3, vm0, $0xb8;
	[tilespmem:$0x12800] =	vst v63  }
0x32: {  	v3 =	vld [tilespmem:s11+$0xFFFFFFD0];
	_ =	sdelay $0x4  }
0x33: {  	v49 =	vshll.u32 v3, $0x1  }
0x34: {  	v3 =	vand.u32 $0x7, v3;
	v4 =	vand.u32 $0xFFFFFFF0, v49  }
0x35: {  	v3 =	vor.u32 v3, v4  }
0x36: {  	v4 =	vperm.xlane v3, v0;
	_ =	sdelay $0x1  }
0x37: {  	v3 =	vperm.xlane v3, v2;
	v4 =	vadd.s32 v1, v4;
	_ =	sdelay $0x1  }
0x38: {  	v3 =	vadd.s32 v1, v3;
	_ =	sdelay $0x1  }
0x39: {  	s6 =	rddreg [dreg:$0x6]  }
0x3a: {  	[tilespmem:s6], [sflag:$0x1] =	stream.indirect_vreg.gather [hbm4b:s4+s3], $0x80, v4, vm0, $0xb8;
	[tilespmem:$0x12800] =	vst v63  }
0x3b: {  	s7 =	rddreg [dreg:$0x7]  }
0x3c: {  	[tilespmem:s7], [sflag:$0x1] =	stream.indirect_vreg.gather [hbm4b:s4+s3], $0x80, v3, vm0, $0xb8;
	[tilespmem:$0x12800] =	vst v63  }
0x3d: {  	v3 =	vld [tilespmem:s11+$0xFFFFFFE0];
	_ =	sdelay $0x4  }
0x3e: {  	v50 =	vshll.u32 v3, $0x1  }
0x3f: {  	v3 =	vand.u32 $0x7, v3;
	v4 =	vand.u32 $0xFFFFFFF0, v50  }
0x40: {  	v3 =	vor.u32 v3, v4  }
0x41: {  	v4 =	vperm.xlane v3, v0;
	_ =	sdelay $0x1  }
0x42: {  	v3 =	vperm.xlane v3, v2;
	v4 =	vadd.s32 v1, v4;
	_ =	sdelay $0x1  }
0x43: {  	v3 =	vadd.s32 v1, v3;
	_ =	sdelay $0x1  }
0x44: {  	s6 =	rddreg [dreg:$0x8]  }
0x45: {  	[tilespmem:s6], [sflag:$0x1] =	stream.indirect_vreg.gather [hbm4b:s4+s3], $0x80, v4, vm0, $0xb8;
	[tilespmem:$0x12800] =	vst v63  }
0x46: {  	s7 =	rddreg [dreg:$0x9]  }
0x47: {  	[tilespmem:s7], [sflag:$0x1] =	stream.indirect_vreg.gather [hbm4b:s4+s3], $0x80, v3, vm0, $0xb8;
	[tilespmem:$0x12800] =	vst v63  }
0x48: {  	v3 =	vld [tilespmem:s11+$0xFFFFFFF0];
	_ =	sdelay $0x4  }
0x49: {  	v51 =	vshll.u32 v3, $0x1  }
0x4a: {  	v3 =	vand.u32 $0x7, v3;
	v4 =	vand.u32 $0xFFFFFFF0, v51  }
0x4b: {  	v3 =	vor.u32 v3, v4  }
0x4c: {  	v4 =	vperm.xlane v3, v0;
	_ =	sdelay $0x1  }
0x4d: {  	v3 =	vperm.xlane v3, v2;
	v4 =	vadd.s32 v1, v4;
	_ =	sdelay $0x1  }
0x4e: {  	v3 =	vadd.s32 v1, v3;
	_ =	sdelay $0x1  }
0x4f: {  	s6 =	rddreg [dreg:$0xa]  }
0x50: {  	[tilespmem:s6], [sflag:$0x1] =	stream.indirect_vreg.gather [hbm4b:s4+s3], $0x80, v4, vm0, $0xb8;
	[tilespmem:$0x12800] =	vst v63  }
0x51: {  	s7 =	rddreg [dreg:$0xb]  }
0x52: {  	[tilespmem:s7], [sflag:$0x1] =	stream.indirect_vreg.gather [hbm4b:s4+s3], $0x80, v3, vm0, $0xb8;
	[tilespmem:$0x12800] =	vst v63  }
0x53: {  	v3 =	vld [tilespmem:s11+$0x0];
	_ =	sdelay $0x4  }
0x54: {  	v52 =	vshll.u32 v3, $0x1  }
0x55: {  	v3 =	vand.u32 $0x7, v3;
	v4 =	vand.u32 $0xFFFFFFF0, v52  }
0x56: {  	v3 =	vor.u32 v3, v4  }
0x57: {  	v4 =	vperm.xlane v3, v0;
	_ =	sdelay $0x1  }
0x58: {  	v3 =	vperm.xlane v3, v2;
	v4 =	vadd.s32 v1, v4;
	_ =	sdelay $0x1  }
0x59: {  	v3 =	vadd.s32 v1, v3;
	_ =	sdelay $0x1  }
0x5a: {  	s6 =	rddreg [dreg:$0xc]  }
0x5b: {  	[tilespmem:s6], [sflag:$0x1] =	stream.indirect_vreg.gather [hbm4b:s4+s3], $0x80, v4, vm0, $0xb8;
	[tilespmem:$0x12800] =	vst v63  }
0x5c: {  	s7 =	rddreg [dreg:$0xd]  }
0x5d: {  	[tilespmem:s7], [sflag:$0x1] =	stream.indirect_vreg.gather [hbm4b:s4+s3], $0x80, v3, vm0, $0xb8;
	[tilespmem:$0x12800] =	vst v63  }
0x5e: {  	v3 =	vld [tilespmem:s11+$0x10];
	_ =	sdelay $0x4  }
0x5f: {  	v53 =	vshll.u32 v3, $0x1  }
0x60: {  	v3 =	vand.u32 $0x7, v3;
	v4 =	vand.u32 $0xFFFFFFF0, v53  }
0x61: {  	v3 =	vor.u32 v3, v4  }
0x62: {  	v4 =	vperm.xlane v3, v0;
	_ =	sdelay $0x1  }
0x63: {  	v3 =	vperm.xlane v3, v2;
	v4 =	vadd.s32 v1, v4;
	_ =	sdelay $0x1  }
0x64: {  	v3 =	vadd.s32 v1, v3;
	_ =	sdelay $0x1  }
0x65: {  	s6 =	rddreg [dreg:$0xe]  }
0x66: {  	[tilespmem:s6], [sflag:$0x1] =	stream.indirect_vreg.gather [hbm4b:s4+s3], $0x80, v4, vm0, $0xb8;
	[tilespmem:$0x12800] =	vst v63  }
0x67: {  	s7 =	rddreg [dreg:$0xf]  }
0x68: {  	[tilespmem:s7], [sflag:$0x1] =	stream.indirect_vreg.gather [hbm4b:s4+s3], $0x80, v3, vm0, $0xb8;
	[tilespmem:$0x12800] =	vst v63  }
0x69: {  	v3 =	vld [tilespmem:s11+$0x20];
	_ =	sdelay $0x4  }
0x6a: {  	v54 =	vshll.u32 v3, $0x1  }
0x6b: {  	v3 =	vand.u32 $0x7, v3;
	v4 =	vand.u32 $0xFFFFFFF0, v54  }
0x6c: {  	v3 =	vor.u32 v3, v4  }
0x6d: {  	v4 =	vperm.xlane v3, v0;
	_ =	sdelay $0x1  }
0x6e: {  	v3 =	vperm.xlane v3, v2;
	v4 =	vadd.s32 v1, v4;
	_ =	sdelay $0x1  }
0x6f: {  	v3 =	vadd.s32 v1, v3;
	_ =	sdelay $0x1  }
0x70: {  	s6 =	rddreg [dreg:$0x10]  }
0x71: {  	[tilespmem:s6], [sflag:$0x1] =	stream.indirect_vreg.gather [hbm4b:s4+s3], $0x80, v4, vm0, $0xb8;
	[tilespmem:$0x12800] =	vst v63  }
0x72: {  	s7 =	rddreg [dreg:$0x11]  }
0x73: {  	[tilespmem:s7], [sflag:$0x1] =	stream.indirect_vreg.gather [hbm4b:s4+s3], $0x80, v3, vm0, $0xb8;
	[tilespmem:$0x12800] =	vst v63  }
0x74: {  	v3 =	vld [tilespmem:s11+$0x30];
	_ =	sdelay $0x4  }
0x75: {  	v55 =	vshll.u32 v3, $0x1  }
0x76: {  	v3 =	vand.u32 $0x7, v3;
	v4 =	vand.u32 $0xFFFFFFF0, v55  }
0x77: {  	v3 =	vor.u32 v3, v4  }
0x78: {  	v4 =	vperm.xlane v3, v0;
	_ =	sdelay $0x1  }
0x79: {  	v3 =	vperm.xlane v3, v2;
	v4 =	vadd.s32 v1, v4;
	_ =	sdelay $0x1  }
0x7a: {  	v3 =	vadd.s32 v1, v3;
	_ =	sdelay $0x1  }
0x7b: {  	s6 =	rddreg [dreg:$0x12]  }
0x7c: {  	[tilespmem:s6], [sflag:$0x1] =	stream.indirect_vreg.gather [hbm4b:s4+s3], $0x80, v4, vm0, $0xb8;
	[tilespmem:$0x12800] =	vst v63  }
0x7d: {  	s7 =	rddreg [dreg:$0x13]  }
0x7e: {  	[tilespmem:s7], [sflag:$0x1] =	stream.indirect_vreg.gather [hbm4b:s4+s3], $0x80, v3, vm0, $0xb8;
	[tilespmem:$0x12800] =	vst v63  }
0x7f: {  	v3 =	vld [tilespmem:s0+$0xFFFFFFC0];
	_ =	sdelay $0x4  }
0x80: {  	v56 =	vshll.u32 v3, $0x1  }
0x81: {  	v3 =	vand.u32 $0x7, v3;
	v4 =	vand.u32 $0xFFFFFFF0, v56  }
0x82: {  	v3 =	vor.u32 v3, v4  }
0x83: {  	v4 =	vperm.xlane v3, v0;
	_ =	sdelay $0x1  }
0x84: {  	v3 =	vperm.xlane v3, v2;
	v4 =	vadd.s32 v1, v4;
	_ =	sdelay $0x1  }
0x85: {  	v3 =	vadd.s32 v1, v3;
	_ =	sdelay $0x2  }
0x86: {  	[tilespmem:s13], [sflag:$0x2] =	stream.indirect_vreg.gather [hbm4b:s2+s3], $0x80, v4, vm0, $0xb8;
	[tilespmem:$0x12800] =	vst v63  }
0x87: {  	_ = 	snop  }
0x88: {  	[tilespmem:s14], [sflag:$0x2] =	stream.indirect_vreg.gather [hbm4b:s2+s3], $0x80, v3, vm0, $0xb8;
	[tilespmem:$0x12800] =	vst v63  }
0x89: {  	v3 =	vld [tilespmem:s0+$0xFFFFFFD0];
	_ =	sdelay $0x4  }
0x8a: {  	v57 =	vshll.u32 v3, $0x1  }
0x8b: {  	v3 =	vand.u32 $0x7, v3;
	v4 =	vand.u32 $0xFFFFFFF0, v57  }
0x8c: {  	v3 =	vor.u32 v3, v4  }
0x8d: {  	v4 =	vperm.xlane v3, v0;
	_ =	sdelay $0x1  }
0x8e: {  	v3 =	vperm.xlane v3, v2;
	v4 =	vadd.s32 v1, v4;
	_ =	sdelay $0x1  }
0x8f: {  	v3 =	vadd.s32 v1, v3;
	_ =	sdelay $0x2  }
0x90: {  	[tilespmem:s15], [sflag:$0x2] =	stream.indirect_vreg.gather [hbm4b:s2+s3], $0x80, v4, vm0, $0xb8;
	[tilespmem:$0x12800] =	vst v63  }
0x91: {  	_ = 	snop  }
0x92: {  	[tilespmem:s16], [sflag:$0x2] =	stream.indirect_vreg.gather [hbm4b:s2+s3], $0x80, v3, vm0, $0xb8;
	[tilespmem:$0x12800] =	vst v63  }
0x93: {  	v3 =	vld [tilespmem:s0+$0xFFFFFFE0];
	_ =	sdelay $0x4  }
0x94: {  	v58 =	vshll.u32 v3, $0x1  }
0x95: {  	v3 =	vand.u32 $0x7, v3;
	v4 =	vand.u32 $0xFFFFFFF0, v58  }
0x96: {  	v3 =	vor.u32 v3, v4  }
0x97: {  	v4 =	vperm.xlane v3, v0;
	_ =	sdelay $0x1  }
0x98: {  	v3 =	vperm.xlane v3, v2;
	v4 =	vadd.s32 v1, v4;
	_ =	sdelay $0x1  }
0x99: {  	v3 =	vadd.s32 v1, v3;
	_ =	sdelay $0x2  }
0x9a: {  	[tilespmem:s17], [sflag:$0x2] =	stream.indirect_vreg.gather [hbm4b:s2+s3], $0x80, v4, vm0, $0xb8;
	[tilespmem:$0x12800] =	vst v63  }
0x9b: {  	_ = 	snop  }
0x9c: {  	[tilespmem:s18], [sflag:$0x2] =	stream.indirect_vreg.gather [hbm4b:s2+s3], $0x80, v3, vm0, $0xb8;
	[tilespmem:$0x12800] =	vst v63  }
0x9d: {  	v3 =	vld [tilespmem:s0+$0xFFFFFFF0];
	_ =	sdelay $0x4  }
0x9e: {  	v59 =	vshll.u32 v3, $0x1  }
0x9f: {  	v3 =	vand.u32 $0x7, v3;
	v4 =	vand.u32 $0xFFFFFFF0, v59  }
0xa0: {  	v3 =	vor.u32 v3, v4  }
0xa1: {  	v4 =	vperm.xlane v3, v0;
	_ =	sdelay $0x1  }
0xa2: {  	v3 =	vperm.xlane v3, v2;
	v4 =	vadd.s32 v1, v4;
	_ =	sdelay $0x1  }
0xa3: {  	v3 =	vadd.s32 v1, v3;
	_ =	sdelay $0x2  }
0xa4: {  	[tilespmem:s19], [sflag:$0x2] =	stream.indirect_vreg.gather [hbm4b:s2+s3], $0x80, v4, vm0, $0xb8;
	[tilespmem:$0x12800] =	vst v63  }
0xa5: {  	_ = 	snop  }
0xa6: {  	[tilespmem:s20], [sflag:$0x2] =	stream.indirect_vreg.gather [hbm4b:s2+s3], $0x80, v3, vm0, $0xb8;
	[tilespmem:$0x12800] =	vst v63  }
0xa7: {  	v3 =	vld [tilespmem:s0+$0x0];
	_ =	sdelay $0x4  }
0xa8: {  	v60 =	vshll.u32 v3, $0x1  }
0xa9: {  	v3 =	vand.u32 $0x7, v3;
	v4 =	vand.u32 $0xFFFFFFF0, v60  }
0xaa: {  	v3 =	vor.u32 v3, v4  }
0xab: {  	v4 =	vperm.xlane v3, v0;
	_ =	sdelay $0x1  }
0xac: {  	v3 =	vperm.xlane v3, v2;
	v4 =	vadd.s32 v1, v4;
	_ =	sdelay $0x1  }
0xad: {  	v3 =	vadd.s32 v1, v3;
	_ =	sdelay $0x2  }
0xae: {  	[tilespmem:s21], [sflag:$0x2] =	stream.indirect_vreg.gather [hbm4b:s2+s3], $0x80, v4, vm0, $0xb8;
	[tilespmem:$0x12800] =	vst v63  }
0xaf: {  	_ = 	snop  }
0xb0: {  	[tilespmem:s22], [sflag:$0x2] =	stream.indirect_vreg.gather [hbm4b:s2+s3], $0x80, v3, vm0, $0xb8;
	[tilespmem:$0x12800] =	vst v63  }
0xb1: {  	v3 =	vld [tilespmem:s0+$0x10];
	_ =	sdelay $0x4  }
0xb2: {  	v61 =	vshll.u32 v3, $0x1  }
0xb3: {  	v3 =	vand.u32 $0x7, v3;
	v4 =	vand.u32 $0xFFFFFFF0, v61  }
0xb4: {  	v3 =	vor.u32 v3, v4  }
0xb5: {  	v4 =	vperm.xlane v3, v0;
	_ =	sdelay $0x1  }
0xb6: {  	v3 =	vperm.xlane v3, v2;
	v4 =	vadd.s32 v1, v4;
	_ =	sdelay $0x1  }
0xb7: {  	v3 =	vadd.s32 v1, v3;
	_ =	sdelay $0x2  }
0xb8: {  	[tilespmem:s23], [sflag:$0x2] =	stream.indirect_vreg.gather [hbm4b:s2+s3], $0x80, v4, vm0, $0xb8;
	[tilespmem:$0x12800] =	vst v63  }
0xb9: {  	_ = 	snop  }
0xba: {  	[tilespmem:s24], [sflag:$0x2] =	stream.indirect_vreg.gather [hbm4b:s2+s3], $0x80, v3, vm0, $0xb8;
	[tilespmem:$0x12800] =	vst v63  }
0xbb: {  	v3 =	vld [tilespmem:s0+$0x20];
	_ =	sdelay $0x4  }
0xbc: {  	v62 =	vshll.u32 v3, $0x1  }
0xbd: {  	v3 =	vand.u32 $0x7, v3;
	v4 =	vand.u32 $0xFFFFFFF0, v62  }
0xbe: {  	v3 =	vor.u32 v3, v4  }
0xbf: {  	v4 =	vperm.xlane v3, v0;
	_ =	sdelay $0x1  }
0xc0: {  	v3 =	vperm.xlane v3, v2;
	v4 =	vadd.s32 v1, v4;
	_ =	sdelay $0x1  }
0xc1: {  	v3 =	vadd.s32 v1, v3;
	_ =	sdelay $0x2  }
0xc2: {  	[tilespmem:s25], [sflag:$0x2] =	stream.indirect_vreg.gather [hbm4b:s2+s3], $0x80, v4, vm0, $0xb8;
	[tilespmem:$0x12800] =	vst v63  }
0xc3: {  	_ = 	snop  }
0xc4: {  	[tilespmem:s26], [sflag:$0x2] =	stream.indirect_vreg.gather [hbm4b:s2+s3], $0x80, v3, vm0, $0xb8;
	[tilespmem:$0x12800] =	vst v63  }
0xc5: {  	v3 =	vld [tilespmem:s0+$0x30];
	_ =	sdelay $0x4  }
0xc6: {  	v63 =	vshll.u32 v3, $0x1  }
0xc7: {  	v3 =	vand.u32 $0x7, v3;
	v4 =	vand.u32 $0xFFFFFFF0, v63  }
0xc8: {  	v3 =	vor.u32 v3, v4  }
0xc9: {  	v4 =	vperm.xlane v3, v0;
	_ =	sdelay $0x1  }
0xca: {  	v3 =	vperm.xlane v3, v2;
	v4 =	vadd.s32 v1, v4;
	_ =	sdelay $0x1  }
0xcb: {  	v3 =	vadd.s32 v1, v3;
	_ =	sdelay $0x2  }
0xcc: {  	[tilespmem:s28], [sflag:$0x2] =	stream.indirect_vreg.gather [hbm4b:s2+s3], $0x80, v4, vm0, $0xb8;
	[tilespmem:$0x12800] =	vst v63  }
0xcd: {  	_ = 	snop  }
0xce: {  	[tilespmem:s29], [sflag:$0x2] =	stream.indirect_vreg.gather [hbm4b:s2+s3], $0x80, v3, vm0, $0xb8;
	[tilespmem:$0x12800] =	vst v63  }
0xcf: {  	_ =	swait.ge [sflag:s30], $0x8000  }
0xd0: {  	s7 =	rddreg [dreg:$0x4];
	[sflag:s30] =	ssyncset.done $0x0  }
0xd1: {  	[sflag:s30] =	ssyncadd.s32 $0xFFFF8000;
	s6 =	sadd.s32 s5, s7  }
0xd2: {  	[hbm4b:s6+s3] =	stream.linear.scatter [tilespmem:s12], [sflag:$0x3], $0x8000, $0x38;
	[tilespmem:$0x12800] =	vst v63  }
0xd3: {  	_ =	swait.ge [sflag:s10], $0x8000  }
0xd4: {  	[sflag:s10] =	ssyncset.done $0x0  }
0xd5: {  	[sflag:s10] =	ssyncadd.s32 $0xFFFF8000  }
0xd6: {  	_ =	swait.ge [sflag:s31], $0x8000  }
0xd7: {  	p0 =	sne.s32 s5, $0x26000;
	s7 =	rddreg [dreg:$0x3];
	[sflag:s31] =	ssyncset.done $0x0  }
.Ltmp0:
0xd8: {  	[sflag:s31] =	ssyncadd.s32 $0xFFFF8000;
	s6 =	sadd.s32 s5, s7;
	(pc) =	sbr.rel @p0 .LBB2_2-.Ltmp0, $4  }
0xd9: {  	[hbm4b:s6+s3] =	stream.linear.scatter [tilespmem:s13], [sflag:$0x3], $0x8000, $0x38;
	[tilespmem:$0x12800] =	vst v63  }
0xda: {  	_ =	swait.ge [sflag:s10], $0x8000  }
0xdb: {  	s11 =	sadd.s32 $0x80, s11;
	[sflag:s10] =	ssyncset.done $0x0  }
0xdc: {  	s0 =	sadd.s32 $0x80, s0;
	s5 =	sadd.s32 $0x1000, s5;
	[sflag:s10] =	ssyncadd.s32 $0xFFFF8000  }
0xdd: {  	v3 =	vld.msk [tilespmem:$0x1380], $0xff;
	_ =	sdelay $0x4  }
0xde: {  	v4 =	vshll.u32 v3, $0x1  }
0xdf: {  	v3 =	vand.u32 $0x7, v3;
	v4 =	vand.u32 $0xFFFFFFF0, v4  }
0xe0: {  	v3 =	vor.u32 v3, v4  }
0xe1: {  	v3 =	vperm.xlane v3, v0;
	_ =	sdelay $0x1  }
0xe2: {  	v3 =	vadd.s32 v1, v3;
	_ =	sdelay $0x4  }
0xe3: {  	[tilespmem:s12], [sflag:$0x1] =	stream.indirect_vreg.gather [hbm4b:s4+s3], $0x80, v3, vm0, $0xb8;
	[tilespmem:$0x12800] =	vst v63  }
0xe4: {  	v3 =	vld.msk [tilespmem:$0x2780], $0xff;
	_ =	sdelay $0x4  }
0xe5: {  	v63 =	vshll.u32 v3, $0x1  }
0xe6: {  	v3 =	vand.u32 $0x7, v3;
	v4 =	vand.u32 $0xFFFFFFF0, v63  }
0xe7: {  	v3 =	vor.u32 v3, v4  }
0xe8: {  	v3 =	vperm.xlane v3, v0;
	_ =	sdelay $0x1  }
0xe9: {  	v3 =	vadd.s32 v1, v3;
	_ =	sdelay $0x4  }
0xea: {  	[tilespmem:s13], [sflag:$0x2] =	stream.indirect_vreg.gather [hbm4b:s2+s3], $0x80, v3, vm0, $0xb8;
	[tilespmem:$0x12800] =	vst v63  }
0xeb: {  	_ =	swait.ge [sflag:s30], $0x800  }
0xec: {  	[sflag:s30] =	ssyncset.done $0x0  }
0xed: {  	s0 =	rddreg [dreg:$0x16];
	[sflag:s30] =	ssyncadd.s32 $0xFFFFF800  }
0xee: {  	[hbm4b:s0+s3] =	stream.linear.scatter [tilespmem:s12], [sflag:$0x3], $0x800, $0x38;
	[tilespmem:$0x12800] =	vst v63  }
0xef: {  	_ =	swait.ge [sflag:s10], $0x800  }
0xf0: {  	[sflag:s10] =	ssyncset.done $0x0  }
0xf1: {  	[sflag:s10] =	ssyncadd.s32 $0xFFFFF800  }
0xf2: {  	s1 =	sadd.s32 $0x1, s1;
	_ =	swait.ge [sflag:s31], $0x800  }
0xf3: {  	p0 =	sne.s32 s1, s9;
	[sflag:s31] =	ssyncset.done $0x0  }
.Ltmp1:
0xf4: {  	[sflag:s31] =	ssyncadd.s32 $0xFFFFF800;
	(pc) =	sbr.rel @p0 .LBB2_1-.Ltmp1, $4  }
0xf5: {  	[hbm4b:s8+s3] =	stream.linear.scatter [tilespmem:s13], [sflag:$0x3], $0x800, $0x38;
	[tilespmem:$0x12800] =	vst v63  }
0xf6: {  	_ =	swait.ge [sflag:s10], $0x800  }
0xf7: {  	[sflag:s10] =	ssyncset.done $0x0  }
0xf8: {  	[sflag:s10] =	ssyncadd.s32 $0xFFFFF800  }
0xf9: {  	_ =	sfence.sel $0x180000  }
0xfa: {  	[bflag:$0x0] =	sbarrier.arrive $0xFFFF  }
0xfb: {  	_ =	strace $0x90000047  }
0xfc: {  	s0 =	stileid.u32;
	[bflag:$0x2] =	sbarrier.arrive $0xFFFF  }
0xfd: {  	p0 =	sne.s32 s0, $0x0;
	s0 =	rddreg [dreg:$0x2]  }
0xfe: {  	s0 =	sadd.s32 @!p0 $0x100000, s0  }
0xff: {  	[sflag:s0] =	ssyncadd.tile.s32 @!p0 $0x1;
	_ =	shalt  }
.Lfunc_end2:
_tile_overlayer_lowered:
.L_overlay_start_2:
0x100: {  	(tag) =	ssettag $0x2  }
0x101: {  	s0 =	rddreg [dreg:$0x0];
	s2 =	stileid.u32  }
0x102: {  	s1 =	rddreg [dreg:$0x1];
	p0 =	sne.s32 s2, $0x0  }
0x103: {  	s3 =	rddreg [dreg:$0x2];
	[bflag:$0x3] =	sbarrier.arrive $0xFFFF;
	s2 =	simm.s32 @!p0 $0x1C03  }
0x104: {  	[timem:s3], [sflag:s2] =	dma.local @!p0 [hbm:s0], s1  }
0x105: {  	s0 =	simm.s32 @!p0 $0x3  }
0x106: {  	_ =	swait.ge @!p0 [sflag:s0], s1  }
0x107: {  	s1 =	ssub.s32 @!p0 $0x0, s1;
	[sflag:s0] =	ssyncset.done @!p0 $0x0  }
0x108: {  	[sflag:s0] =	ssyncadd.s32 @!p0 s1  }
0x109: {  	[bflag:$0x3] =	sbarrier.arrive $0xFFFF  }
0x10a: {  	_ =	shalt  }

</sc_bundles>
